<compile_context>
chip_gen: v7x
topology: tpu7x:2x2x1
jax: 0.10.2.dev20260603
libtpu: 0.0.44.dev20260713+nightly
codegen_flags: <defaults>
</compile_context>

<pallas_src>
import functools

import jax
import jax.numpy as jnp
from jax import lax
from jax.experimental import pallas as pl
from jax.experimental.pallas import tpu as pltpu
from jax.experimental.pallas import tpu_sc as plsc

VOCAB = 1000000
D = 64
B = 16384
NEG = 20

NC = 2
NS = 16
NW = NC * NS
CN = 320
BT = 1024


@functools.lru_cache(maxsize=None)
def _sc_gather_fn(n):
    bpw = n // NW
    npw = n * NEG // NW
    nch = npw // CN
    mesh = plsc.VectorSubcoreMesh(
        core_axis_name="c", subcore_axis_name="s",
        num_cores=NC, num_subcores=NS,
    )

    @functools.partial(
        pl.kernel,
        out_type=(
            jax.ShapeDtypeStruct((n, D), jnp.float32),
            jax.ShapeDtypeStruct((n, D), jnp.float32),
            jax.ShapeDtypeStruct((n * NEG, D), jnp.float32),
        ),
        mesh=mesh,
        scratch_types=[
            pltpu.VMEM((bpw,), jnp.int32),
            pltpu.VMEM((bpw,), jnp.int32),
            pltpu.VMEM((npw,), jnp.int32),
            pltpu.VMEM((bpw, D), jnp.float32),
            pltpu.VMEM((bpw, D), jnp.float32),
            pltpu.VMEM((CN, D), jnp.float32),
            pltpu.VMEM((CN, D), jnp.float32),
            pltpu.SemaphoreType.DMA,
            pltpu.SemaphoreType.DMA,
        ],
        compiler_params=pltpu.CompilerParams(
            use_tc_tiling_on_sc=False, needs_layout_passes=False),
    )
    def body(cen_idx_h, ctx_idx_h, neg_idx_h, cen_emb_h, ctx_emb_h,
             cen_out_h, ctx_out_h, neg_out_h,
             cq_v, xq_v, nq_v, cen_v, ctx_v, neg_v0, neg_v1, sem, osem):
        wid = lax.axis_index("s") * NC + lax.axis_index("c")
        base = wid * bpw
        nbase = wid * npw
        pltpu.sync_copy(cen_idx_h.at[pl.ds(base, bpw)], cq_v)
        pltpu.sync_copy(ctx_idx_h.at[pl.ds(base, bpw)], xq_v)
        pltpu.sync_copy(neg_idx_h.at[pl.ds(nbase, npw)], nq_v)

        c1 = pltpu.async_copy(cen_emb_h.at[cq_v], cen_v, sem)
        c2 = pltpu.async_copy(ctx_emb_h.at[xq_v], ctx_v, sem)
        c1.wait()
        pltpu.sync_copy(cen_v, cen_out_h.at[pl.ds(base, bpw)])
        c2.wait()
        pltpu.sync_copy(ctx_v, ctx_out_h.at[pl.ds(base, bpw)])

        def pair(t, carry):
            a = 2 * t
            b = 2 * t + 1
            ga = pltpu.async_copy(
                ctx_emb_h.at[nq_v.at[pl.ds(a * CN, CN)]], neg_v0, sem)
            gb = pltpu.async_copy(
                ctx_emb_h.at[nq_v.at[pl.ds(b * CN, CN)]], neg_v1, sem)
            ga.wait()
            oa = pltpu.async_copy(
                neg_v0, neg_out_h.at[pl.ds(nbase + a * CN, CN)], osem)
            gb.wait()
            ob = pltpu.async_copy(
                neg_v1, neg_out_h.at[pl.ds(nbase + b * CN, CN)], osem)
            oa.wait()
            ob.wait()
            return carry

        lax.fori_loop(0, nch // 2, pair, 0)

    return body


def _tc_loss(cen_g, ctx_g, neg_g):
    n = cen_g.shape[0]

    def body(cen_ref, ctx_ref, neg_ref, o_ref):
        i = pl.program_id(0)
        cen = cen_ref[...]
        ctx = ctx_ref[...]
        pos = jnp.sum(cen * ctx, axis=1, keepdims=True)
        sgp = jnp.clip(jax.nn.sigmoid(pos), 1e-10, 1.0 - 1e-10)
        total = jnp.sum(-jnp.log(sgp))
        for j in range(NEG):
            nj = neg_ref[j]
            s = jnp.sum(cen * nj, axis=1, keepdims=True)
            sgn = jnp.clip(jax.nn.sigmoid(s), 1e-10, 1.0 - 1e-10)
            total = total + jnp.sum(-jnp.log(1.0 - sgn))

        @pl.when(i == 0)
        def _():
            o_ref[0, 0] = 0.0

        o_ref[0, 0] += total / B

    return pl.pallas_call(
        body,
        grid=(n // BT,),
        in_specs=[
            pl.BlockSpec((BT, D), lambda i: (i, 0)),
            pl.BlockSpec((BT, D), lambda i: (i, 0)),
            pl.BlockSpec((NEG, BT, D), lambda i: (0, i, 0)),
        ],
        out_specs=pl.BlockSpec(memory_space=pltpu.SMEM),
        out_shape=jax.ShapeDtypeStruct((1, 1), jnp.float32),
    )(cen_g, ctx_g, neg_g)


def _half(cen_idx, ctx_idx, neg_jm, cen_emb, ctx_emb):
    n = cen_idx.shape[0]
    cen_g, ctx_g, neg_g = _sc_gather_fn(n)(
        cen_idx, ctx_idx, neg_jm.reshape(n * NEG), cen_emb, ctx_emb)
    return _tc_loss(cen_g, ctx_g, neg_g.reshape(NEG, n, D))


@jax.jit
def kernel(center_words, context_words, negative_words, center_emb, context_emb):
    cen_idx = center_words.astype(jnp.int32)
    ctx_idx = context_words.astype(jnp.int32)
    neg_jm = negative_words.astype(jnp.int32).T
    h = B // 2
    l1 = _half(cen_idx[:h], ctx_idx[:h], neg_jm[:, :h], center_emb, context_emb)
    l2 = _half(cen_idx[h:], ctx_idx[h:], neg_jm[:, h:], center_emb, context_emb)
    return (l1 + l2)[0, 0]

# --- scband reference (transcript-rebuilt; emitter-appended) ---
"""Pipeline reference for scband-skip-gram-model-16655883174343 (READ-ONLY COPY).

The authoritative reference and input builder live on the scoring server;
editing this copy changes nothing except your own understanding.
"""

import jax, jax.numpy as jnp
import numpy as np

VOCAB = 1000000
DIM = 64
B = 16384
NEG = 20


def setup_inputs(seed: int = 0) -> dict:
    key = jax.random.key(seed)
    k1, k2, k3, k4, k5 = jax.random.split(key, 5)
    init_range = 0.5 / DIM
    center_words = jax.random.randint(k1, (B,), 0, VOCAB)
    context_words = jax.random.randint(k2, (B,), 0, VOCAB)
    negative_words = jax.random.randint(k3, (B, NEG), 0, VOCAB)
    center_emb = jax.random.uniform(k4, (VOCAB, DIM), dtype=jnp.float32, minval=-init_range, maxval=init_range)
    context_emb = jax.random.uniform(k5, (VOCAB, DIM), dtype=jnp.float32, minval=-init_range, maxval=init_range)
    return {
        "center_words": center_words,
        "context_words": context_words,
        "negative_words": negative_words,
        "center_emb": center_emb,
        "context_emb": context_emb,
    }


def reference(center_words, context_words, negative_words, center_emb, context_emb):
    # embedding gathers
    center_embeds = jnp.take(center_emb, center_words, axis=0)          # [B, D]
    context_embeds = jnp.take(context_emb, context_words, axis=0)        # [B, D]
    negative_embeds = jnp.take(context_emb, negative_words, axis=0)      # [B, NEG, D]

    # positive score
    positive_score = jnp.sum(center_embeds * context_embeds, axis=1)
    positive_score = jax.nn.sigmoid(positive_score)
    positive_score = jnp.clip(positive_score, 1e-10, 1 - 1e-10)
    positive_loss = -jnp.log(positive_score)

    # negative scores
    center_expanded = center_embeds[:, None, :]                          # [B, 1, D]
    negative_scores = jnp.sum(center_expanded * negative_embeds, axis=2) # [B, NEG]
    negative_scores = jax.nn.sigmoid(negative_scores)
    negative_scores = jnp.clip(negative_scores, 1e-10, 1 - 1e-10)
    negative_loss = -jnp.sum(jnp.log(1 - negative_scores), axis=1)

    loss = positive_loss + negative_loss
    return jnp.mean(loss)

if __name__ == "__main__":
    import jax
    _d = setup_inputs()
    print(jax.jit(kernel)(*tuple(_d.values())))

</pallas_src>

<mosaic_0001>
#map = affine_map<(d0, d1) -> (0)>
#map1 = affine_map<(d0, d1) -> (0, 0)>
module attributes {stable_mosaic.version = 14 : i64} {
  func.func @body(%arg0: i32, %arg1: i32, %arg2: memref<8192xi32, #tpu.memory_space<hbm>>, %arg3: memref<8192xi32, #tpu.memory_space<hbm>>, %arg4: memref<163840xi32, #tpu.memory_space<hbm>>, %arg5: memref<1000000x64xf32, #tpu.memory_space<hbm>>, %arg6: memref<1000000x64xf32, #tpu.memory_space<hbm>>, %arg7: memref<8192x64xf32, #tpu.memory_space<hbm>>, %arg8: memref<8192x64xf32, #tpu.memory_space<hbm>>, %arg9: memref<163840x64xf32, #tpu.memory_space<hbm>>, %arg10: memref<256xi32, #tpu.memory_space<vmem>>, %arg11: memref<256xi32, #tpu.memory_space<vmem>>, %arg12: memref<5120xi32, #tpu.memory_space<vmem>>, %arg13: memref<256x64xf32, #tpu.memory_space<vmem>>, %arg14: memref<256x64xf32, #tpu.memory_space<vmem>>, %arg15: memref<320x64xf32, #tpu.memory_space<vmem>>, %arg16: memref<320x64xf32, #tpu.memory_space<vmem>>, %arg17: memref<!tpu.dma_semaphore, #tpu.memory_space<semaphore_mem>>, %arg18: memref<!tpu.dma_semaphore, #tpu.memory_space<semaphore_mem>>) attributes {dimension_semantics = [#tpu.dimension_semantics<core_parallel>, #tpu.dimension_semantics<subcore_parallel>], iteration_bounds = array<i64: 2, 16>, scalar_prefetch = 0 : i64, scratch_operands = 9 : i64, tpu.core_type = #tpu.core_type<sc_vector_subcore>, window_params = [{transform_indices = #map}, {transform_indices = #map}, {transform_indices = #map}, {transform_indices = #map1}, {transform_indices = #map1}, {transform_indices = #map1}, {transform_indices = #map1}, {transform_indices = #map1}]} {
    %mul3A = arith.constant 2 : i32
    %mul3A_0 = arith.muli %arg1, %mul3A : i32
    %add3A = arith.addi %mul3A_0, %arg0 : i32
    %mul3A_1 = arith.constant 256 : i32
    %mul3A_2 = arith.muli %add3A, %mul3A_1 : i32
    %mul3A_3 = arith.constant 5120 : i32
    %mul3A_4 = arith.muli %add3A, %mul3A_3 : i32
    "tpu.region"() ({
      %run_scoped3A = tpu.sem_alloc : memref<!tpu.dma_semaphore, #tpu.memory_space<semaphore_mem>>
      %dma_start3A_20 = tpu.memref_slice %arg2[%mul3A_2] : memref<8192xi32, #tpu.memory_space<hbm>> -> memref<256xi32, #tpu.memory_space<hbm>>
      %dma_start3A_21 = tpu.memref_slice %arg2[%mul3A_2] : memref<8192xi32, #tpu.memory_space<hbm>> -> memref<256xi32, #tpu.memory_space<hbm>>
      tpu.enqueue_dma source(%dma_start3A_21 : memref<256xi32, #tpu.memory_space<hbm>>) target(%arg10 : memref<256xi32, #tpu.memory_space<vmem>>) target_semaphore(%run_scoped3A : memref<!tpu.dma_semaphore, #tpu.memory_space<semaphore_mem>>)
      %dma_wait3A_22 = tpu.memref_slice %arg2[%mul3A_2] : memref<8192xi32, #tpu.memory_space<hbm>> -> memref<256xi32, #tpu.memory_space<hbm>>
      %dma_wait3A_23 = tpu.memref_slice %arg2[%mul3A_2] : memref<8192xi32, #tpu.memory_space<hbm>> -> memref<256xi32, #tpu.memory_space<hbm>>
      tpu.wait_dma2 semaphore(%run_scoped3A : memref<!tpu.dma_semaphore, #tpu.memory_space<semaphore_mem>>) src(%dma_wait3A_23 : memref<256xi32, #tpu.memory_space<hbm>>) dst(%arg10 : memref<256xi32, #tpu.memory_space<vmem>>)
      tpu.yield
    }) : () -> ()
    "tpu.region"() ({
      %run_scoped3A = tpu.sem_alloc : memref<!tpu.dma_semaphore, #tpu.memory_space<semaphore_mem>>
      %dma_start3A_20 = tpu.memref_slice %arg3[%mul3A_2] : memref<8192xi32, #tpu.memory_space<hbm>> -> memref<256xi32, #tpu.memory_space<hbm>>
      %dma_start3A_21 = tpu.memref_slice %arg3[%mul3A_2] : memref<8192xi32, #tpu.memory_space<hbm>> -> memref<256xi32, #tpu.memory_space<hbm>>
      tpu.enqueue_dma source(%dma_start3A_21 : memref<256xi32, #tpu.memory_space<hbm>>) target(%arg11 : memref<256xi32, #tpu.memory_space<vmem>>) target_semaphore(%run_scoped3A : memref<!tpu.dma_semaphore, #tpu.memory_space<semaphore_mem>>)
      %dma_wait3A_22 = tpu.memref_slice %arg3[%mul3A_2] : memref<8192xi32, #tpu.memory_space<hbm>> -> memref<256xi32, #tpu.memory_space<hbm>>
      %dma_wait3A_23 = tpu.memref_slice %arg3[%mul3A_2] : memref<8192xi32, #tpu.memory_space<hbm>> -> memref<256xi32, #tpu.memory_space<hbm>>
      tpu.wait_dma2 semaphore(%run_scoped3A : memref<!tpu.dma_semaphore, #tpu.memory_space<semaphore_mem>>) src(%dma_wait3A_23 : memref<256xi32, #tpu.memory_space<hbm>>) dst(%arg11 : memref<256xi32, #tpu.memory_space<vmem>>)
      tpu.yield
    }) : () -> ()
    "tpu.region"() ({
      %run_scoped3A = tpu.sem_alloc : memref<!tpu.dma_semaphore, #tpu.memory_space<semaphore_mem>>
      %dma_start3A_20 = tpu.memref_slice %arg4[%mul3A_4] : memref<163840xi32, #tpu.memory_space<hbm>> -> memref<5120xi32, #tpu.memory_space<hbm>>
      %dma_start3A_21 = tpu.memref_slice %arg4[%mul3A_4] : memref<163840xi32, #tpu.memory_space<hbm>> -> memref<5120xi32, #tpu.memory_space<hbm>>
      tpu.enqueue_dma source(%dma_start3A_21 : memref<5120xi32, #tpu.memory_space<hbm>>) target(%arg12 : memref<5120xi32, #tpu.memory_space<vmem>>) target_semaphore(%run_scoped3A : memref<!tpu.dma_semaphore, #tpu.memory_space<semaphore_mem>>)
      %dma_wait3A_22 = tpu.memref_slice %arg4[%mul3A_4] : memref<163840xi32, #tpu.memory_space<hbm>> -> memref<5120xi32, #tpu.memory_space<hbm>>
      %dma_wait3A_23 = tpu.memref_slice %arg4[%mul3A_4] : memref<163840xi32, #tpu.memory_space<hbm>> -> memref<5120xi32, #tpu.memory_space<hbm>>
      tpu.wait_dma2 semaphore(%run_scoped3A : memref<!tpu.dma_semaphore, #tpu.memory_space<semaphore_mem>>) src(%dma_wait3A_23 : memref<5120xi32, #tpu.memory_space<hbm>>) dst(%arg12 : memref<5120xi32, #tpu.memory_space<vmem>>)
      tpu.yield
    }) : () -> ()
    %dma_start3A = arith.constant 0 : i32
    %dma_start3A_5 = arith.constant 0 : i32
    %dma_start3A_6 = tpu.memref_slice %arg5[%dma_start3A, %dma_start3A_5] : memref<1000000x64xf32, #tpu.memory_space<hbm>> -> memref<1000000x64xf32, #tpu.memory_space<hbm>>
    tpu.enqueue_indirect_dma source(%dma_start3A_6 : memref<1000000x64xf32, #tpu.memory_space<hbm>>) target(%arg13 : memref<256x64xf32, #tpu.memory_space<vmem>>) offsets(%arg10 : memref<256xi32, #tpu.memory_space<vmem>>) semaphore(%arg17 : memref<!tpu.dma_semaphore, #tpu.memory_space<semaphore_mem>>)
    %dma_start3A_7 = arith.constant 0 : i32
    %dma_start3A_8 = arith.constant 0 : i32
    %dma_start3A_9 = tpu.memref_slice %arg6[%dma_start3A_7, %dma_start3A_8] : memref<1000000x64xf32, #tpu.memory_space<hbm>> -> memref<1000000x64xf32, #tpu.memory_space<hbm>>
    tpu.enqueue_indirect_dma source(%dma_start3A_9 : memref<1000000x64xf32, #tpu.memory_space<hbm>>) target(%arg14 : memref<256x64xf32, #tpu.memory_space<vmem>>) offsets(%arg11 : memref<256xi32, #tpu.memory_space<vmem>>) semaphore(%arg17 : memref<!tpu.dma_semaphore, #tpu.memory_space<semaphore_mem>>)
    %dma_wait3A = arith.constant 0 : i32
    %dma_wait3A_10 = arith.constant 0 : i32
    %dma_wait3A_11 = tpu.memref_slice %arg5[%dma_wait3A, %dma_wait3A_10] : memref<1000000x64xf32, #tpu.memory_space<hbm>> -> memref<1000000x64xf32, #tpu.memory_space<hbm>>
    tpu.wait_indirect_dma semaphore(%arg17 : memref<!tpu.dma_semaphore, #tpu.memory_space<semaphore_mem>>) src(%dma_wait3A_11 : memref<1000000x64xf32, #tpu.memory_space<hbm>>) dst(%arg13 : memref<256x64xf32, #tpu.memory_space<vmem>>)
    "tpu.region"() ({
      %run_scoped3A = tpu.sem_alloc : memref<!tpu.dma_semaphore, #tpu.memory_space<semaphore_mem>>
      %dma_start3A_20 = arith.constant 0 : i32
      %dma_start3A_21 = tpu.memref_slice %arg7[%mul3A_2, %dma_start3A_20] : memref<8192x64xf32, #tpu.memory_space<hbm>> -> memref<256x64xf32, #tpu.memory_space<hbm>>
      %dma_start3A_22 = arith.constant 0 : i32
      %dma_start3A_23 = tpu.memref_slice %arg7[%mul3A_2, %dma_start3A_22] : memref<8192x64xf32, #tpu.memory_space<hbm>> -> memref<256x64xf32, #tpu.memory_space<hbm>>
      tpu.enqueue_dma source(%arg13 : memref<256x64xf32, #tpu.memory_space<vmem>>) target(%dma_start3A_23 : memref<256x64xf32, #tpu.memory_space<hbm>>) target_semaphore(%run_scoped3A : memref<!tpu.dma_semaphore, #tpu.memory_space<semaphore_mem>>)
      %dma_wait3A_24 = arith.constant 0 : i32
      %dma_wait3A_25 = tpu.memref_slice %arg7[%mul3A_2, %dma_wait3A_24] : memref<8192x64xf32, #tpu.memory_space<hbm>> -> memref<256x64xf32, #tpu.memory_space<hbm>>
      %dma_wait3A_26 = arith.constant 0 : i32
      %dma_wait3A_27 = tpu.memref_slice %arg7[%mul3A_2, %dma_wait3A_26] : memref<8192x64xf32, #tpu.memory_space<hbm>> -> memref<256x64xf32, #tpu.memory_space<hbm>>
      tpu.wait_dma2 semaphore(%run_scoped3A : memref<!tpu.dma_semaphore, #tpu.memory_space<semaphore_mem>>) src(%arg13 : memref<256x64xf32, #tpu.memory_space<vmem>>) dst(%dma_wait3A_27 : memref<256x64xf32, #tpu.memory_space<hbm>>)
      tpu.yield
    }) : () -> ()
    %dma_wait3A_12 = arith.constant 0 : i32
    %dma_wait3A_13 = arith.constant 0 : i32
    %dma_wait3A_14 = tpu.memref_slice %arg6[%dma_wait3A_12, %dma_wait3A_13] : memref<1000000x64xf32, #tpu.memory_space<hbm>> -> memref<1000000x64xf32, #tpu.memory_space<hbm>>
    tpu.wait_indirect_dma semaphore(%arg17 : memref<!tpu.dma_semaphore, #tpu.memory_space<semaphore_mem>>) src(%dma_wait3A_14 : memref<1000000x64xf32, #tpu.memory_space<hbm>>) dst(%arg14 : memref<256x64xf32, #tpu.memory_space<vmem>>)
    "tpu.region"() ({
      %run_scoped3A = tpu.sem_alloc : memref<!tpu.dma_semaphore, #tpu.memory_space<semaphore_mem>>
      %dma_start3A_20 = arith.constant 0 : i32
      %dma_start3A_21 = tpu.memref_slice %arg8[%mul3A_2, %dma_start3A_20] : memref<8192x64xf32, #tpu.memory_space<hbm>> -> memref<256x64xf32, #tpu.memory_space<hbm>>
      %dma_start3A_22 = arith.constant 0 : i32
      %dma_start3A_23 = tpu.memref_slice %arg8[%mul3A_2, %dma_start3A_22] : memref<8192x64xf32, #tpu.memory_space<hbm>> -> memref<256x64xf32, #tpu.memory_space<hbm>>
      tpu.enqueue_dma source(%arg14 : memref<256x64xf32, #tpu.memory_space<vmem>>) target(%dma_start3A_23 : memref<256x64xf32, #tpu.memory_space<hbm>>) target_semaphore(%run_scoped3A : memref<!tpu.dma_semaphore, #tpu.memory_space<semaphore_mem>>)
      %dma_wait3A_24 = arith.constant 0 : i32
      %dma_wait3A_25 = tpu.memref_slice %arg8[%mul3A_2, %dma_wait3A_24] : memref<8192x64xf32, #tpu.memory_space<hbm>> -> memref<256x64xf32, #tpu.memory_space<hbm>>
      %dma_wait3A_26 = arith.constant 0 : i32
      %dma_wait3A_27 = tpu.memref_slice %arg8[%mul3A_2, %dma_wait3A_26] : memref<8192x64xf32, #tpu.memory_space<hbm>> -> memref<256x64xf32, #tpu.memory_space<hbm>>
      tpu.wait_dma2 semaphore(%run_scoped3A : memref<!tpu.dma_semaphore, #tpu.memory_space<semaphore_mem>>) src(%arg14 : memref<256x64xf32, #tpu.memory_space<vmem>>) dst(%dma_wait3A_27 : memref<256x64xf32, #tpu.memory_space<hbm>>)
      tpu.yield
    }) : () -> ()
    %scan3A = arith.constant 0 : i32
    %scan3A_15 = arith.constant 0 : i32
    %scan3A_16 = arith.constant 8 : i32
    %scan3A_17 = arith.addi %scan3A_15, %scan3A_16 : i32
    %scan3A_18 = arith.constant 1 : i32
    scf.for %scan3A_20 = %scan3A_15 to %scan3A_17 step %scan3A_18  : i32 {
      %mul3A_21 = arith.constant 2 : i32
      %mul3A_22 = arith.muli %mul3A_21, %scan3A_20 : i32
      %mul3A_23 = arith.constant 2 : i32
      %mul3A_24 = arith.muli %mul3A_23, %scan3A_20 : i32
      %add3A_25 = arith.constant 1 : i32
      %add3A_26 = arith.addi %mul3A_24, %add3A_25 : i32
      %mul3A_27 = arith.constant 320 : i32
      %mul3A_28 = arith.muli %mul3A_22, %mul3A_27 : i32
      %dma_start3A_29 = tpu.memref_slice %arg12[%mul3A_28] : memref<5120xi32, #tpu.memory_space<vmem>> -> memref<320xi32, #tpu.memory_space<vmem>>
      %dma_start3A_30 = arith.constant 0 : i32
      %dma_start3A_31 = arith.constant 0 : i32
      %dma_start3A_32 = tpu.memref_slice %arg6[%dma_start3A_30, %dma_start3A_31] : memref<1000000x64xf32, #tpu.memory_space<hbm>> -> memref<1000000x64xf32, #tpu.memory_space<hbm>>
      tpu.enqueue_indirect_dma source(%dma_start3A_32 : memref<1000000x64xf32, #tpu.memory_space<hbm>>) target(%arg15 : memref<320x64xf32, #tpu.memory_space<vmem>>) offsets(%dma_start3A_29 : memref<320xi32, #tpu.memory_space<vmem>>) semaphore(%arg17 : memref<!tpu.dma_semaphore, #tpu.memory_space<semaphore_mem>>)
      %mul3A_33 = arith.constant 320 : i32
      %mul3A_34 = arith.muli %add3A_26, %mul3A_33 : i32
      %dma_start3A_35 = tpu.memref_slice %arg12[%mul3A_34] : memref<5120xi32, #tpu.memory_space<vmem>> -> memref<320xi32, #tpu.memory_space<vmem>>
      %dma_start3A_36 = arith.constant 0 : i32
      %dma_start3A_37 = arith.constant 0 : i32
      %dma_start3A_38 = tpu.memref_slice %arg6[%dma_start3A_36, %dma_start3A_37] : memref<1000000x64xf32, #tpu.memory_space<hbm>> -> memref<1000000x64xf32, #tpu.memory_space<hbm>>
      tpu.enqueue_indirect_dma source(%dma_start3A_38 : memref<1000000x64xf32, #tpu.memory_space<hbm>>) target(%arg16 : memref<320x64xf32, #tpu.memory_space<vmem>>) offsets(%dma_start3A_35 : memref<320xi32, #tpu.memory_space<vmem>>) semaphore(%arg17 : memref<!tpu.dma_semaphore, #tpu.memory_space<semaphore_mem>>)
      %dma_wait3A_39 = tpu.memref_slice %arg12[%mul3A_28] : memref<5120xi32, #tpu.memory_space<vmem>> -> memref<320xi32, #tpu.memory_space<vmem>>
      %dma_wait3A_40 = arith.constant 0 : i32
      %dma_wait3A_41 = arith.constant 0 : i32
      %dma_wait3A_42 = tpu.memref_slice %arg6[%dma_wait3A_40, %dma_wait3A_41] : memref<1000000x64xf32, #tpu.memory_space<hbm>> -> memref<1000000x64xf32, #tpu.memory_space<hbm>>
      tpu.wait_indirect_dma semaphore(%arg17 : memref<!tpu.dma_semaphore, #tpu.memory_space<semaphore_mem>>) src(%dma_wait3A_42 : memref<1000000x64xf32, #tpu.memory_space<hbm>>) dst(%arg15 : memref<320x64xf32, #tpu.memory_space<vmem>>)
      %mul3A_43 = arith.constant 320 : i32
      %mul3A_44 = arith.muli %mul3A_22, %mul3A_43 : i32
      %add3A_45 = arith.addi %mul3A_4, %mul3A_44 : i32
      %dma_start3A_46 = arith.constant 0 : i32
      %dma_start3A_47 = tpu.memref_slice %arg9[%add3A_45, %dma_start3A_46] : memref<163840x64xf32, #tpu.memory_space<hbm>> -> memref<320x64xf32, #tpu.memory_space<hbm>>
      %dma_start3A_48 = arith.constant 0 : i32
      %dma_start3A_49 = tpu.memref_slice %arg9[%add3A_45, %dma_start3A_48] : memref<163840x64xf32, #tpu.memory_space<hbm>> -> memref<320x64xf32, #tpu.memory_space<hbm>>
      tpu.enqueue_dma source(%arg15 : memref<320x64xf32, #tpu.memory_space<vmem>>) target(%dma_start3A_49 : memref<320x64xf32, #tpu.memory_space<hbm>>) target_semaphore(%arg18 : memref<!tpu.dma_semaphore, #tpu.memory_space<semaphore_mem>>)
      %dma_wait3A_50 = tpu.memref_slice %arg12[%mul3A_34] : memref<5120xi32, #tpu.memory_space<vmem>> -> memref<320xi32, #tpu.memory_space<vmem>>
      %dma_wait3A_51 = arith.constant 0 : i32
      %dma_wait3A_52 = arith.constant 0 : i32
      %dma_wait3A_53 = tpu.memref_slice %arg6[%dma_wait3A_51, %dma_wait3A_52] : memref<1000000x64xf32, #tpu.memory_space<hbm>> -> memref<1000000x64xf32, #tpu.memory_space<hbm>>
      tpu.wait_indirect_dma semaphore(%arg17 : memref<!tpu.dma_semaphore, #tpu.memory_space<semaphore_mem>>) src(%dma_wait3A_53 : memref<1000000x64xf32, #tpu.memory_space<hbm>>) dst(%arg16 : memref<320x64xf32, #tpu.memory_space<vmem>>)
      %mul3A_54 = arith.constant 320 : i32
      %mul3A_55 = arith.muli %add3A_26, %mul3A_54 : i32
      %add3A_56 = arith.addi %mul3A_4, %mul3A_55 : i32
      %dma_start3A_57 = arith.constant 0 : i32
      %dma_start3A_58 = tpu.memref_slice %arg9[%add3A_56, %dma_start3A_57] : memref<163840x64xf32, #tpu.memory_space<hbm>> -> memref<320x64xf32, #tpu.memory_space<hbm>>
      %dma_start3A_59 = arith.constant 0 : i32
      %dma_start3A_60 = tpu.memref_slice %arg9[%add3A_56, %dma_start3A_59] : memref<163840x64xf32, #tpu.memory_space<hbm>> -> memref<320x64xf32, #tpu.memory_space<hbm>>
      tpu.enqueue_dma source(%arg16 : memref<320x64xf32, #tpu.memory_space<vmem>>) target(%dma_start3A_60 : memref<320x64xf32, #tpu.memory_space<hbm>>) target_semaphore(%arg18 : memref<!tpu.dma_semaphore, #tpu.memory_space<semaphore_mem>>)
      %dma_wait3A_61 = arith.constant 0 : i32
      %dma_wait3A_62 = tpu.memref_slice %arg9[%add3A_45, %dma_wait3A_61] : memref<163840x64xf32, #tpu.memory_space<hbm>> -> memref<320x64xf32, #tpu.memory_space<hbm>>
      %dma_wait3A_63 = arith.constant 0 : i32
      %dma_wait3A_64 = tpu.memref_slice %arg9[%add3A_45, %dma_wait3A_63] : memref<163840x64xf32, #tpu.memory_space<hbm>> -> memref<320x64xf32, #tpu.memory_space<hbm>>
      tpu.wait_dma2 semaphore(%arg18 : memref<!tpu.dma_semaphore, #tpu.memory_space<semaphore_mem>>) src(%arg15 : memref<320x64xf32, #tpu.memory_space<vmem>>) dst(%dma_wait3A_64 : memref<320x64xf32, #tpu.memory_space<hbm>>)
      %dma_wait3A_65 = arith.constant 0 : i32
      %dma_wait3A_66 = tpu.memref_slice %arg9[%add3A_56, %dma_wait3A_65] : memref<163840x64xf32, #tpu.memory_space<hbm>> -> memref<320x64xf32, #tpu.memory_space<hbm>>
      %dma_wait3A_67 = arith.constant 0 : i32
      %dma_wait3A_68 = tpu.memref_slice %arg9[%add3A_56, %dma_wait3A_67] : memref<163840x64xf32, #tpu.memory_space<hbm>> -> memref<320x64xf32, #tpu.memory_space<hbm>>
      tpu.wait_dma2 semaphore(%arg18 : memref<!tpu.dma_semaphore, #tpu.memory_space<semaphore_mem>>) src(%arg16 : memref<320x64xf32, #tpu.memory_space<vmem>>) dst(%dma_wait3A_68 : memref<320x64xf32, #tpu.memory_space<hbm>>)
    }
    %scan3A_19 = arith.constant 8 : i32
    return
  }
}

#map = affine_map<(d0, d1) -> (0)>
#map1 = affine_map<(d0, d1) -> (0, 0)>
module attributes {stable_mosaic.version = 14 : i64} {
  func.func @body(%arg0: i32, %arg1: i32, %arg2: memref<8192xi32, #tpu.memory_space<hbm>>, %arg3: memref<8192xi32, #tpu.memory_space<hbm>>, %arg4: memref<163840xi32, #tpu.memory_space<hbm>>, %arg5: memref<1000000x64xf32, #tpu.memory_space<hbm>>, %arg6: memref<1000000x64xf32, #tpu.memory_space<hbm>>, %arg7: memref<8192x64xf32, #tpu.memory_space<hbm>>, %arg8: memref<8192x64xf32, #tpu.memory_space<hbm>>, %arg9: memref<163840x64xf32, #tpu.memory_space<hbm>>, %arg10: memref<256xi32, #tpu.memory_space<vmem>>, %arg11: memref<256xi32, #tpu.memory_space<vmem>>, %arg12: memref<5120xi32, #tpu.memory_space<vmem>>, %arg13: memref<256x64xf32, #tpu.memory_space<vmem>>, %arg14: memref<256x64xf32, #tpu.memory_space<vmem>>, %arg15: memref<320x64xf32, #tpu.memory_space<vmem>>, %arg16: memref<320x64xf32, #tpu.memory_space<vmem>>, %arg17: memref<!tpu.dma_semaphore, #tpu.memory_space<semaphore_mem>>, %arg18: memref<!tpu.dma_semaphore, #tpu.memory_space<semaphore_mem>>) attributes {dimension_semantics = [#tpu.dimension_semantics<core_parallel>, #tpu.dimension_semantics<subcore_parallel>], iteration_bounds = array<i64: 2, 16>, scalar_prefetch = 0 : i64, scratch_operands = 9 : i64, tpu.core_type = #tpu.core_type<sc_vector_subcore>, window_params = [{transform_indices = #map}, {transform_indices = #map}, {transform_indices = #map}, {transform_indices = #map1}, {transform_indices = #map1}, {transform_indices = #map1}, {transform_indices = #map1}, {transform_indices = #map1}]} {
    %mul3A = arith.constant 2 : i32
    %mul3A_0 = arith.muli %arg1, %mul3A : i32
    %add3A = arith.addi %mul3A_0, %arg0 : i32
    %mul3A_1 = arith.constant 256 : i32
    %mul3A_2 = arith.muli %add3A, %mul3A_1 : i32
    %mul3A_3 = arith.constant 5120 : i32
    %mul3A_4 = arith.muli %add3A, %mul3A_3 : i32
    "tpu.region"() ({
      %run_scoped3A = tpu.sem_alloc : memref<!tpu.dma_semaphore, #tpu.memory_space<semaphore_mem>>
      %dma_start3A_20 = tpu.memref_slice %arg2[%mul3A_2] : memref<8192xi32, #tpu.memory_space<hbm>> -> memref<256xi32, #tpu.memory_space<hbm>>
      %dma_start3A_21 = tpu.memref_slice %arg2[%mul3A_2] : memref<8192xi32, #tpu.memory_space<hbm>> -> memref<256xi32, #tpu.memory_space<hbm>>
      tpu.enqueue_dma source(%dma_start3A_21 : memref<256xi32, #tpu.memory_space<hbm>>) target(%arg10 : memref<256xi32, #tpu.memory_space<vmem>>) target_semaphore(%run_scoped3A : memref<!tpu.dma_semaphore, #tpu.memory_space<semaphore_mem>>)
      %dma_wait3A_22 = tpu.memref_slice %arg2[%mul3A_2] : memref<8192xi32, #tpu.memory_space<hbm>> -> memref<256xi32, #tpu.memory_space<hbm>>
      %dma_wait3A_23 = tpu.memref_slice %arg2[%mul3A_2] : memref<8192xi32, #tpu.memory_space<hbm>> -> memref<256xi32, #tpu.memory_space<hbm>>
      tpu.wait_dma2 semaphore(%run_scoped3A : memref<!tpu.dma_semaphore, #tpu.memory_space<semaphore_mem>>) src(%dma_wait3A_23 : memref<256xi32, #tpu.memory_space<hbm>>) dst(%arg10 : memref<256xi32, #tpu.memory_space<vmem>>)
      tpu.yield
    }) : () -> ()
    "tpu.region"() ({
      %run_scoped3A = tpu.sem_alloc : memref<!tpu.dma_semaphore, #tpu.memory_space<semaphore_mem>>
      %dma_start3A_20 = tpu.memref_slice %arg3[%mul3A_2] : memref<8192xi32, #tpu.memory_space<hbm>> -> memref<256xi32, #tpu.memory_space<hbm>>
      %dma_start3A_21 = tpu.memref_slice %arg3[%mul3A_2] : memref<8192xi32, #tpu.memory_space<hbm>> -> memref<256xi32, #tpu.memory_space<hbm>>
      tpu.enqueue_dma source(%dma_start3A_21 : memref<256xi32, #tpu.memory_space<hbm>>) target(%arg11 : memref<256xi32, #tpu.memory_space<vmem>>) target_semaphore(%run_scoped3A : memref<!tpu.dma_semaphore, #tpu.memory_space<semaphore_mem>>)
      %dma_wait3A_22 = tpu.memref_slice %arg3[%mul3A_2] : memref<8192xi32, #tpu.memory_space<hbm>> -> memref<256xi32, #tpu.memory_space<hbm>>
      %dma_wait3A_23 = tpu.memref_slice %arg3[%mul3A_2] : memref<8192xi32, #tpu.memory_space<hbm>> -> memref<256xi32, #tpu.memory_space<hbm>>
      tpu.wait_dma2 semaphore(%run_scoped3A : memref<!tpu.dma_semaphore, #tpu.memory_space<semaphore_mem>>) src(%dma_wait3A_23 : memref<256xi32, #tpu.memory_space<hbm>>) dst(%arg11 : memref<256xi32, #tpu.memory_space<vmem>>)
      tpu.yield
    }) : () -> ()
    "tpu.region"() ({
      %run_scoped3A = tpu.sem_alloc : memref<!tpu.dma_semaphore, #tpu.memory_space<semaphore_mem>>
      %dma_start3A_20 = tpu.memref_slice %arg4[%mul3A_4] : memref<163840xi32, #tpu.memory_space<hbm>> -> memref<5120xi32, #tpu.memory_space<hbm>>
      %dma_start3A_21 = tpu.memref_slice %arg4[%mul3A_4] : memref<163840xi32, #tpu.memory_space<hbm>> -> memref<5120xi32, #tpu.memory_space<hbm>>
      tpu.enqueue_dma source(%dma_start3A_21 : memref<5120xi32, #tpu.memory_space<hbm>>) target(%arg12 : memref<5120xi32, #tpu.memory_space<vmem>>) target_semaphore(%run_scoped3A : memref<!tpu.dma_semaphore, #tpu.memory_space<semaphore_mem>>)
      %dma_wait3A_22 = tpu.memref_slice %arg4[%mul3A_4] : memref<163840xi32, #tpu.memory_space<hbm>> -> memref<5120xi32, #tpu.memory_space<hbm>>
      %dma_wait3A_23 = tpu.memref_slice %arg4[%mul3A_4] : memref<163840xi32, #tpu.memory_space<hbm>> -> memref<5120xi32, #tpu.memory_space<hbm>>
      tpu.wait_dma2 semaphore(%run_scoped3A : memref<!tpu.dma_semaphore, #tpu.memory_space<semaphore_mem>>) src(%dma_wait3A_23 : memref<5120xi32, #tpu.memory_space<hbm>>) dst(%arg12 : memref<5120xi32, #tpu.memory_space<vmem>>)
      tpu.yield
    }) : () -> ()
    %dma_start3A = arith.constant 0 : i32
    %dma_start3A_5 = arith.constant 0 : i32
    %dma_start3A_6 = tpu.memref_slice %arg5[%dma_start3A, %dma_start3A_5] : memref<1000000x64xf32, #tpu.memory_space<hbm>> -> memref<1000000x64xf32, #tpu.memory_space<hbm>>
    tpu.enqueue_indirect_dma source(%dma_start3A_6 : memref<1000000x64xf32, #tpu.memory_space<hbm>>) target(%arg13 : memref<256x64xf32, #tpu.memory_space<vmem>>) offsets(%arg10 : memref<256xi32, #tpu.memory_space<vmem>>) semaphore(%arg17 : memref<!tpu.dma_semaphore, #tpu.memory_space<semaphore_mem>>)
    %dma_start3A_7 = arith.constant 0 : i32
    %dma_start3A_8 = arith.constant 0 : i32
    %dma_start3A_9 = tpu.memref_slice %arg6[%dma_start3A_7, %dma_start3A_8] : memref<1000000x64xf32, #tpu.memory_space<hbm>> -> memref<1000000x64xf32, #tpu.memory_space<hbm>>
    tpu.enqueue_indirect_dma source(%dma_start3A_9 : memref<1000000x64xf32, #tpu.memory_space<hbm>>) target(%arg14 : memref<256x64xf32, #tpu.memory_space<vmem>>) offsets(%arg11 : memref<256xi32, #tpu.memory_space<vmem>>) semaphore(%arg17 : memref<!tpu.dma_semaphore, #tpu.memory_space<semaphore_mem>>)
    %dma_wait3A = arith.constant 0 : i32
    %dma_wait3A_10 = arith.constant 0 : i32
    %dma_wait3A_11 = tpu.memref_slice %arg5[%dma_wait3A, %dma_wait3A_10] : memref<1000000x64xf32, #tpu.memory_space<hbm>> -> memref<1000000x64xf32, #tpu.memory_space<hbm>>
    tpu.wait_indirect_dma semaphore(%arg17 : memref<!tpu.dma_semaphore, #tpu.memory_space<semaphore_mem>>) src(%dma_wait3A_11 : memref<1000000x64xf32, #tpu.memory_space<hbm>>) dst(%arg13 : memref<256x64xf32, #tpu.memory_space<vmem>>)
    "tpu.region"() ({
      %run_scoped3A = tpu.sem_alloc : memref<!tpu.dma_semaphore, #tpu.memory_space<semaphore_mem>>
      %dma_start3A_20 = arith.constant 0 : i32
      %dma_start3A_21 = tpu.memref_slice %arg7[%mul3A_2, %dma_start3A_20] : memref<8192x64xf32, #tpu.memory_space<hbm>> -> memref<256x64xf32, #tpu.memory_space<hbm>>
      %dma_start3A_22 = arith.constant 0 : i32
      %dma_start3A_23 = tpu.memref_slice %arg7[%mul3A_2, %dma_start3A_22] : memref<8192x64xf32, #tpu.memory_space<hbm>> -> memref<256x64xf32, #tpu.memory_space<hbm>>
      tpu.enqueue_dma source(%arg13 : memref<256x64xf32, #tpu.memory_space<vmem>>) target(%dma_start3A_23 : memref<256x64xf32, #tpu.memory_space<hbm>>) target_semaphore(%run_scoped3A : memref<!tpu.dma_semaphore, #tpu.memory_space<semaphore_mem>>)
      %dma_wait3A_24 = arith.constant 0 : i32
      %dma_wait3A_25 = tpu.memref_slice %arg7[%mul3A_2, %dma_wait3A_24] : memref<8192x64xf32, #tpu.memory_space<hbm>> -> memref<256x64xf32, #tpu.memory_space<hbm>>
      %dma_wait3A_26 = arith.constant 0 : i32
      %dma_wait3A_27 = tpu.memref_slice %arg7[%mul3A_2, %dma_wait3A_26] : memref<8192x64xf32, #tpu.memory_space<hbm>> -> memref<256x64xf32, #tpu.memory_space<hbm>>
      tpu.wait_dma2 semaphore(%run_scoped3A : memref<!tpu.dma_semaphore, #tpu.memory_space<semaphore_mem>>) src(%arg13 : memref<256x64xf32, #tpu.memory_space<vmem>>) dst(%dma_wait3A_27 : memref<256x64xf32, #tpu.memory_space<hbm>>)
      tpu.yield
    }) : () -> ()
    %dma_wait3A_12 = arith.constant 0 : i32
    %dma_wait3A_13 = arith.constant 0 : i32
    %dma_wait3A_14 = tpu.memref_slice %arg6[%dma_wait3A_12, %dma_wait3A_13] : memref<1000000x64xf32, #tpu.memory_space<hbm>> -> memref<1000000x64xf32, #tpu.memory_space<hbm>>
    tpu.wait_indirect_dma semaphore(%arg17 : memref<!tpu.dma_semaphore, #tpu.memory_space<semaphore_mem>>) src(%dma_wait3A_14 : memref<1000000x64xf32, #tpu.memory_space<hbm>>) dst(%arg14 : memref<256x64xf32, #tpu.memory_space<vmem>>)
    "tpu.region"() ({
      %run_scoped3A = tpu.sem_alloc : memref<!tpu.dma_semaphore, #tpu.memory_space<semaphore_mem>>
      %dma_start3A_20 = arith.constant 0 : i32
      %dma_start3A_21 = tpu.memref_slice %arg8[%mul3A_2, %dma_start3A_20] : memref<8192x64xf32, #tpu.memory_space<hbm>> -> memref<256x64xf32, #tpu.memory_space<hbm>>
      %dma_start3A_22 = arith.constant 0 : i32
      %dma_start3A_23 = tpu.memref_slice %arg8[%mul3A_2, %dma_start3A_22] : memref<8192x64xf32, #tpu.memory_space<hbm>> -> memref<256x64xf32, #tpu.memory_space<hbm>>
      tpu.enqueue_dma source(%arg14 : memref<256x64xf32, #tpu.memory_space<vmem>>) target(%dma_start3A_23 : memref<256x64xf32, #tpu.memory_space<hbm>>) target_semaphore(%run_scoped3A : memref<!tpu.dma_semaphore, #tpu.memory_space<semaphore_mem>>)
      %dma_wait3A_24 = arith.constant 0 : i32
      %dma_wait3A_25 = tpu.memref_slice %arg8[%mul3A_2, %dma_wait3A_24] : memref<8192x64xf32, #tpu.memory_space<hbm>> -> memref<256x64xf32, #tpu.memory_space<hbm>>
      %dma_wait3A_26 = arith.constant 0 : i32
      %dma_wait3A_27 = tpu.memref_slice %arg8[%mul3A_2, %dma_wait3A_26] : memref<8192x64xf32, #tpu.memory_space<hbm>> -> memref<256x64xf32, #tpu.memory_space<hbm>>
      tpu.wait_dma2 semaphore(%run_scoped3A : memref<!tpu.dma_semaphore, #tpu.memory_space<semaphore_mem>>) src(%arg14 : memref<256x64xf32, #tpu.memory_space<vmem>>) dst(%dma_wait3A_27 : memref<256x64xf32, #tpu.memory_space<hbm>>)
      tpu.yield
    }) : () -> ()
    %scan3A = arith.constant 0 : i32
    %scan3A_15 = arith.constant 0 : i32
    %scan3A_16 = arith.constant 8 : i32
    %scan3A_17 = arith.addi %scan3A_15, %scan3A_16 : i32
    %scan3A_18 = arith.constant 1 : i32
    scf.for %scan3A_20 = %scan3A_15 to %scan3A_17 step %scan3A_18  : i32 {
      %mul3A_21 = arith.constant 2 : i32
      %mul3A_22 = arith.muli %mul3A_21, %scan3A_20 : i32
      %mul3A_23 = arith.constant 2 : i32
      %mul3A_24 = arith.muli %mul3A_23, %scan3A_20 : i32
      %add3A_25 = arith.constant 1 : i32
      %add3A_26 = arith.addi %mul3A_24, %add3A_25 : i32
      %mul3A_27 = arith.constant 320 : i32
      %mul3A_28 = arith.muli %mul3A_22, %mul3A_27 : i32
      %dma_start3A_29 = tpu.memref_slice %arg12[%mul3A_28] : memref<5120xi32, #tpu.memory_space<vmem>> -> memref<320xi32, #tpu.memory_space<vmem>>
      %dma_start3A_30 = arith.constant 0 : i32
      %dma_start3A_31 = arith.constant 0 : i32
      %dma_start3A_32 = tpu.memref_slice %arg6[%dma_start3A_30, %dma_start3A_31] : memref<1000000x64xf32, #tpu.memory_space<hbm>> -> memref<1000000x64xf32, #tpu.memory_space<hbm>>
      tpu.enqueue_indirect_dma source(%dma_start3A_32 : memref<1000000x64xf32, #tpu.memory_space<hbm>>) target(%arg15 : memref<320x64xf32, #tpu.memory_space<vmem>>) offsets(%dma_start3A_29 : memref<320xi32, #tpu.memory_space<vmem>>) semaphore(%arg17 : memref<!tpu.dma_semaphore, #tpu.memory_space<semaphore_mem>>)
      %mul3A_33 = arith.constant 320 : i32
      %mul3A_34 = arith.muli %add3A_26, %mul3A_33 : i32
      %dma_start3A_35 = tpu.memref_slice %arg12[%mul3A_34] : memref<5120xi32, #tpu.memory_space<vmem>> -> memref<320xi32, #tpu.memory_space<vmem>>
      %dma_start3A_36 = arith.constant 0 : i32
      %dma_start3A_37 = arith.constant 0 : i32
      %dma_start3A_38 = tpu.memref_slice %arg6[%dma_start3A_36, %dma_start3A_37] : memref<1000000x64xf32, #tpu.memory_space<hbm>> -> memref<1000000x64xf32, #tpu.memory_space<hbm>>
      tpu.enqueue_indirect_dma source(%dma_start3A_38 : memref<1000000x64xf32, #tpu.memory_space<hbm>>) target(%arg16 : memref<320x64xf32, #tpu.memory_space<vmem>>) offsets(%dma_start3A_35 : memref<320xi32, #tpu.memory_space<vmem>>) semaphore(%arg17 : memref<!tpu.dma_semaphore, #tpu.memory_space<semaphore_mem>>)
      %dma_wait3A_39 = tpu.memref_slice %arg12[%mul3A_28] : memref<5120xi32, #tpu.memory_space<vmem>> -> memref<320xi32, #tpu.memory_space<vmem>>
      %dma_wait3A_40 = arith.constant 0 : i32
      %dma_wait3A_41 = arith.constant 0 : i32
      %dma_wait3A_42 = tpu.memref_slice %arg6[%dma_wait3A_40, %dma_wait3A_41] : memref<1000000x64xf32, #tpu.memory_space<hbm>> -> memref<1000000x64xf32, #tpu.memory_space<hbm>>
      tpu.wait_indirect_dma semaphore(%arg17 : memref<!tpu.dma_semaphore, #tpu.memory_space<semaphore_mem>>) src(%dma_wait3A_42 : memref<1000000x64xf32, #tpu.memory_space<hbm>>) dst(%arg15 : memref<320x64xf32, #tpu.memory_space<vmem>>)
      %mul3A_43 = arith.constant 320 : i32
      %mul3A_44 = arith.muli %mul3A_22, %mul3A_43 : i32
      %add3A_45 = arith.addi %mul3A_4, %mul3A_44 : i32
      %dma_start3A_46 = arith.constant 0 : i32
      %dma_start3A_47 = tpu.memref_slice %arg9[%add3A_45, %dma_start3A_46] : memref<163840x64xf32, #tpu.memory_space<hbm>> -> memref<320x64xf32, #tpu.memory_space<hbm>>
      %dma_start3A_48 = arith.constant 0 : i32
      %dma_start3A_49 = tpu.memref_slice %arg9[%add3A_45, %dma_start3A_48] : memref<163840x64xf32, #tpu.memory_space<hbm>> -> memref<320x64xf32, #tpu.memory_space<hbm>>
      tpu.enqueue_dma source(%arg15 : memref<320x64xf32, #tpu.memory_space<vmem>>) target(%dma_start3A_49 : memref<320x64xf32, #tpu.memory_space<hbm>>) target_semaphore(%arg18 : memref<!tpu.dma_semaphore, #tpu.memory_space<semaphore_mem>>)
      %dma_wait3A_50 = tpu.memref_slice %arg12[%mul3A_34] : memref<5120xi32, #tpu.memory_space<vmem>> -> memref<320xi32, #tpu.memory_space<vmem>>
      %dma_wait3A_51 = arith.constant 0 : i32
      %dma_wait3A_52 = arith.constant 0 : i32
      %dma_wait3A_53 = tpu.memref_slice %arg6[%dma_wait3A_51, %dma_wait3A_52] : memref<1000000x64xf32, #tpu.memory_space<hbm>> -> memref<1000000x64xf32, #tpu.memory_space<hbm>>
      tpu.wait_indirect_dma semaphore(%arg17 : memref<!tpu.dma_semaphore, #tpu.memory_space<semaphore_mem>>) src(%dma_wait3A_53 : memref<1000000x64xf32, #tpu.memory_space<hbm>>) dst(%arg16 : memref<320x64xf32, #tpu.memory_space<vmem>>)
      %mul3A_54 = arith.constant 320 : i32
      %mul3A_55 = arith.muli %add3A_26, %mul3A_54 : i32
      %add3A_56 = arith.addi %mul3A_4, %mul3A_55 : i32
      %dma_start3A_57 = arith.constant 0 : i32
      %dma_start3A_58 = tpu.memref_slice %arg9[%add3A_56, %dma_start3A_57] : memref<163840x64xf32, #tpu.memory_space<hbm>> -> memref<320x64xf32, #tpu.memory_space<hbm>>
      %dma_start3A_59 = arith.constant 0 : i32
      %dma_start3A_60 = tpu.memref_slice %arg9[%add3A_56, %dma_start3A_59] : memref<163840x64xf32, #tpu.memory_space<hbm>> -> memref<320x64xf32, #tpu.memory_space<hbm>>
      tpu.enqueue_dma source(%arg16 : memref<320x64xf32, #tpu.memory_space<vmem>>) target(%dma_start3A_60 : memref<320x64xf32, #tpu.memory_space<hbm>>) target_semaphore(%arg18 : memref<!tpu.dma_semaphore, #tpu.memory_space<semaphore_mem>>)
      %dma_wait3A_61 = arith.constant 0 : i32
      %dma_wait3A_62 = tpu.memref_slice %arg9[%add3A_45, %dma_wait3A_61] : memref<163840x64xf32, #tpu.memory_space<hbm>> -> memref<320x64xf32, #tpu.memory_space<hbm>>
      %dma_wait3A_63 = arith.constant 0 : i32
      %dma_wait3A_64 = tpu.memref_slice %arg9[%add3A_45, %dma_wait3A_63] : memref<163840x64xf32, #tpu.memory_space<hbm>> -> memref<320x64xf32, #tpu.memory_space<hbm>>
      tpu.wait_dma2 semaphore(%arg18 : memref<!tpu.dma_semaphore, #tpu.memory_space<semaphore_mem>>) src(%arg15 : memref<320x64xf32, #tpu.memory_space<vmem>>) dst(%dma_wait3A_64 : memref<320x64xf32, #tpu.memory_space<hbm>>)
      %dma_wait3A_65 = arith.constant 0 : i32
      %dma_wait3A_66 = tpu.memref_slice %arg9[%add3A_56, %dma_wait3A_65] : memref<163840x64xf32, #tpu.memory_space<hbm>> -> memref<320x64xf32, #tpu.memory_space<hbm>>
      %dma_wait3A_67 = arith.constant 0 : i32
      %dma_wait3A_68 = tpu.memref_slice %arg9[%add3A_56, %dma_wait3A_67] : memref<163840x64xf32, #tpu.memory_space<hbm>> -> memref<320x64xf32, #tpu.memory_space<hbm>>
      tpu.wait_dma2 semaphore(%arg18 : memref<!tpu.dma_semaphore, #tpu.memory_space<semaphore_mem>>) src(%arg16 : memref<320x64xf32, #tpu.memory_space<vmem>>) dst(%dma_wait3A_68 : memref<320x64xf32, #tpu.memory_space<hbm>>)
    }
    %scan3A_19 = arith.constant 8 : i32
    return
  }
}

module attributes {stable_mosaic.version = 14 : i64} {
  func.func @body(%arg0: i32, %arg1: memref<1024x64xf32, #tpu.memory_space<vmem>>, %arg2: memref<1024x64xf32, #tpu.memory_space<vmem>>, %arg3: memref<20x1024x64xf32, #tpu.memory_space<vmem>>, %arg4: memref<1x1xf32, #tpu.memory_space<smem>>) attributes {dimension_semantics = [#tpu.dimension_semantics<arbitrary>], iteration_bounds = array<i64: 8>, scalar_prefetch = 0 : i64, scratch_operands = 0 : i64, tpu.core_type = #tpu.core_type<tc>, window_params = [{transform_indices = @transform_0, window_bounds = array<i64: 1024, 64>}, {transform_indices = @transform_1, window_bounds = array<i64: 1024, 64>}, {transform_indices = @transform_2, window_bounds = array<i64: 20, 1024, 64>}, {transform_indices = @transform_3, window_bounds = array<i64: 1, 1>}]} {
    %get3A = arith.constant 0 : index
    %get3A_0 = arith.constant 0 : index
    %get3A_1 = vector.load %arg1[%get3A, %get3A_0] : memref<1024x64xf32, #tpu.memory_space<vmem>>, vector<1024x64xf32>
    %get3A_2 = arith.constant 0 : index
    %get3A_3 = arith.constant 0 : index
    %get3A_4 = vector.load %arg2[%get3A_2, %get3A_3] : memref<1024x64xf32, #tpu.memory_space<vmem>>, vector<1024x64xf32>
    %mul3A = arith.mulf %get3A_1, %get3A_4 : vector<1024x64xf32>
    %reduce_sum3A = arith.constant dense<0.000000e+00> : vector<1024xf32>
    %reduce_sum3A_5 = vector.multi_reduction <add>, %mul3A, %reduce_sum3A [1] : vector<1024x64xf32> to vector<1024xf32>
    %broadcast_in_dim3A = vector.shape_cast %reduce_sum3A_5 : vector<1024xf32> to vector<1024x1xf32>
    %logistic3A = arith.negf %broadcast_in_dim3A : vector<1024x1xf32>
    %logistic3A_6 = math.exp %logistic3A : vector<1024x1xf32>
    %logistic3A_7 = arith.constant 1.000000e+00 : f32
    %logistic3A_8 = vector.broadcast %logistic3A_7 : f32 to vector<1024x1xf32>
    %logistic3A_9 = arith.addf %logistic3A_8, %logistic3A_6 : vector<1024x1xf32>
    %logistic3A_10 = arith.divf %logistic3A_8, %logistic3A_9 : vector<1024x1xf32>
    %jit3A = arith.constant 1.000000e-10 : f32
    %jit3A_11 = arith.constant 1.000000e+00 : f32
    %max3A = vector.broadcast %jit3A : f32 to vector<1024x1xf32>
    %max3A_12 = arith.maximumf %max3A, %logistic3A_10 : vector<1024x1xf32>
    %min3A = vector.broadcast %jit3A_11 : f32 to vector<1024x1xf32>
    %min3A_13 = arith.minimumf %min3A, %max3A_12 : vector<1024x1xf32>
    %log3A = math.log %min3A_13 : vector<1024x1xf32>
    %neg3A = arith.constant 0.000000e+00 : f32
    %neg3A_14 = vector.broadcast %neg3A : f32 to vector<1024x1xf32>
    %neg3A_15 = arith.subf %neg3A_14, %log3A : vector<1024x1xf32>
    %reduce_sum3A_16 = vector.shape_cast %neg3A_15 : vector<1024x1xf32> to vector<1x1024x1xf32>
    %reduce_sum3A_17 = arith.constant dense<0.000000e+00> : vector<1xf32>
    %reduce_sum3A_18 = vector.multi_reduction <add>, %reduce_sum3A_16, %reduce_sum3A_17 [1, 2] : vector<1x1024x1xf32> to vector<1xf32>
    %reduce_sum3A_19 = vector.shape_cast %reduce_sum3A_18 : vector<1xf32> to vector<1x1x1xf32>
    %reduce_sum3A_20 = vector.extract %reduce_sum3A_19[0, 0, 0] : f32 from vector<1x1x1xf32>
    %get3A_21 = arith.constant 0 : index
    %get3A_22 = arith.constant 0 : index
    %get3A_23 = arith.constant 0 : index
    %get3A_24 = vector.load %arg3[%get3A_21, %get3A_22, %get3A_23] : memref<20x1024x64xf32, #tpu.memory_space<vmem>>, vector<1x1024x64xf32>
    %get3A_25 = vector.shape_cast %get3A_24 : vector<1x1024x64xf32> to vector<1024x64xf32>
    %mul3A_26 = arith.mulf %get3A_1, %get3A_25 : vector<1024x64xf32>
    %reduce_sum3A_27 = arith.constant dense<0.000000e+00> : vector<1024xf32>
    %reduce_sum3A_28 = vector.multi_reduction <add>, %mul3A_26, %reduce_sum3A_27 [1] : vector<1024x64xf32> to vector<1024xf32>
    %broadcast_in_dim3A_29 = vector.shape_cast %reduce_sum3A_28 : vector<1024xf32> to vector<1024x1xf32>
    %logistic3A_30 = arith.negf %broadcast_in_dim3A_29 : vector<1024x1xf32>
    %logistic3A_31 = math.exp %logistic3A_30 : vector<1024x1xf32>
    %logistic3A_32 = arith.constant 1.000000e+00 : f32
    %logistic3A_33 = vector.broadcast %logistic3A_32 : f32 to vector<1024x1xf32>
    %logistic3A_34 = arith.addf %logistic3A_33, %logistic3A_31 : vector<1024x1xf32>
    %logistic3A_35 = arith.divf %logistic3A_33, %logistic3A_34 : vector<1024x1xf32>
    %jit3A_36 = arith.constant 1.000000e-10 : f32
    %jit3A_37 = arith.constant 1.000000e+00 : f32
    %max3A_38 = vector.broadcast %jit3A_36 : f32 to vector<1024x1xf32>
    %max3A_39 = arith.maximumf %max3A_38, %logistic3A_35 : vector<1024x1xf32>
    %min3A_40 = vector.broadcast %jit3A_37 : f32 to vector<1024x1xf32>
    %min3A_41 = arith.minimumf %min3A_40, %max3A_39 : vector<1024x1xf32>
    %sub3A = arith.constant 1.000000e+00 : f32
    %sub3A_42 = vector.broadcast %sub3A : f32 to vector<1024x1xf32>
    %sub3A_43 = arith.subf %sub3A_42, %min3A_41 : vector<1024x1xf32>
    %log3A_44 = math.log %sub3A_43 : vector<1024x1xf32>
    %neg3A_45 = arith.constant 0.000000e+00 : f32
    %neg3A_46 = vector.broadcast %neg3A_45 : f32 to vector<1024x1xf32>
    %neg3A_47 = arith.subf %neg3A_46, %log3A_44 : vector<1024x1xf32>
    %reduce_sum3A_48 = vector.shape_cast %neg3A_47 : vector<1024x1xf32> to vector<1x1024x1xf32>
    %reduce_sum3A_49 = arith.constant dense<0.000000e+00> : vector<1xf32>
    %reduce_sum3A_50 = vector.multi_reduction <add>, %reduce_sum3A_48, %reduce_sum3A_49 [1, 2] : vector<1x1024x1xf32> to vector<1xf32>
    %reduce_sum3A_51 = vector.shape_cast %reduce_sum3A_50 : vector<1xf32> to vector<1x1x1xf32>
    %reduce_sum3A_52 = vector.extract %reduce_sum3A_51[0, 0, 0] : f32 from vector<1x1x1xf32>
    %add3A = arith.addf %reduce_sum3A_20, %reduce_sum3A_52 : f32
    %get3A_53 = arith.constant 1 : index
    %get3A_54 = arith.constant 0 : index
    %get3A_55 = arith.constant 0 : index
    %get3A_56 = vector.load %arg3[%get3A_53, %get3A_54, %get3A_55] : memref<20x1024x64xf32, #tpu.memory_space<vmem>>, vector<1x1024x64xf32>
    %get3A_57 = vector.shape_cast %get3A_56 : vector<1x1024x64xf32> to vector<1024x64xf32>
    %mul3A_58 = arith.mulf %get3A_1, %get3A_57 : vector<1024x64xf32>
    %reduce_sum3A_59 = arith.constant dense<0.000000e+00> : vector<1024xf32>
    %reduce_sum3A_60 = vector.multi_reduction <add>, %mul3A_58, %reduce_sum3A_59 [1] : vector<1024x64xf32> to vector<1024xf32>
    %broadcast_in_dim3A_61 = vector.shape_cast %reduce_sum3A_60 : vector<1024xf32> to vector<1024x1xf32>
    %logistic3A_62 = arith.negf %broadcast_in_dim3A_61 : vector<1024x1xf32>
    %logistic3A_63 = math.exp %logistic3A_62 : vector<1024x1xf32>
    %logistic3A_64 = arith.constant 1.000000e+00 : f32
    %logistic3A_65 = vector.broadcast %logistic3A_64 : f32 to vector<1024x1xf32>
    %logistic3A_66 = arith.addf %logistic3A_65, %logistic3A_63 : vector<1024x1xf32>
    %logistic3A_67 = arith.divf %logistic3A_65, %logistic3A_66 : vector<1024x1xf32>
    %jit3A_68 = arith.constant 1.000000e-10 : f32
    %jit3A_69 = arith.constant 1.000000e+00 : f32
    %max3A_70 = vector.broadcast %jit3A_68 : f32 to vector<1024x1xf32>
    %max3A_71 = arith.maximumf %max3A_70, %logistic3A_67 : vector<1024x1xf32>
    %min3A_72 = vector.broadcast %jit3A_69 : f32 to vector<1024x1xf32>
    %min3A_73 = arith.minimumf %min3A_72, %max3A_71 : vector<1024x1xf32>
    %sub3A_74 = arith.constant 1.000000e+00 : f32
    %sub3A_75 = vector.broadcast %sub3A_74 : f32 to vector<1024x1xf32>
    %sub3A_76 = arith.subf %sub3A_75, %min3A_73 : vector<1024x1xf32>
    %log3A_77 = math.log %sub3A_76 : vector<1024x1xf32>
    %neg3A_78 = arith.constant 0.000000e+00 : f32
    %neg3A_79 = vector.broadcast %neg3A_78 : f32 to vector<1024x1xf32>
    %neg3A_80 = arith.subf %neg3A_79, %log3A_77 : vector<1024x1xf32>
    %reduce_sum3A_81 = vector.shape_cast %neg3A_80 : vector<1024x1xf32> to vector<1x1024x1xf32>
    %reduce_sum3A_82 = arith.constant dense<0.000000e+00> : vector<1xf32>
    %reduce_sum3A_83 = vector.multi_reduction <add>, %reduce_sum3A_81, %reduce_sum3A_82 [1, 2] : vector<1x1024x1xf32> to vector<1xf32>
    %reduce_sum3A_84 = vector.shape_cast %reduce_sum3A_83 : vector<1xf32> to vector<1x1x1xf32>
    %reduce_sum3A_85 = vector.extract %reduce_sum3A_84[0, 0, 0] : f32 from vector<1x1x1xf32>
    %add3A_86 = arith.addf %add3A, %reduce_sum3A_85 : f32
    %get3A_87 = arith.constant 2 : index
    %get3A_88 = arith.constant 0 : index
    %get3A_89 = arith.constant 0 : index
    %get3A_90 = vector.load %arg3[%get3A_87, %get3A_88, %get3A_89] : memref<20x1024x64xf32, #tpu.memory_space<vmem>>, vector<1x1024x64xf32>
    %get3A_91 = vector.shape_cast %get3A_90 : vector<1x1024x64xf32> to vector<1024x64xf32>
    %mul3A_92 = arith.mulf %get3A_1, %get3A_91 : vector<1024x64xf32>
    %reduce_sum3A_93 = arith.constant dense<0.000000e+00> : vector<1024xf32>
    %reduce_sum3A_94 = vector.multi_reduction <add>, %mul3A_92, %reduce_sum3A_93 [1] : vector<1024x64xf32> to vector<1024xf32>
    %broadcast_in_dim3A_95 = vector.shape_cast %reduce_sum3A_94 : vector<1024xf32> to vector<1024x1xf32>
    %logistic3A_96 = arith.negf %broadcast_in_dim3A_95 : vector<1024x1xf32>
    %logistic3A_97 = math.exp %logistic3A_96 : vector<1024x1xf32>
    %logistic3A_98 = arith.constant 1.000000e+00 : f32
    %logistic3A_99 = vector.broadcast %logistic3A_98 : f32 to vector<1024x1xf32>
    %logistic3A_100 = arith.addf %logistic3A_99, %logistic3A_97 : vector<1024x1xf32>
    %logistic3A_101 = arith.divf %logistic3A_99, %logistic3A_100 : vector<1024x1xf32>
    %jit3A_102 = arith.constant 1.000000e-10 : f32
    %jit3A_103 = arith.constant 1.000000e+00 : f32
    %max3A_104 = vector.broadcast %jit3A_102 : f32 to vector<1024x1xf32>
    %max3A_105 = arith.maximumf %max3A_104, %logistic3A_101 : vector<1024x1xf32>
    %min3A_106 = vector.broadcast %jit3A_103 : f32 to vector<1024x1xf32>
    %min3A_107 = arith.minimumf %min3A_106, %max3A_105 : vector<1024x1xf32>
    %sub3A_108 = arith.constant 1.000000e+00 : f32
    %sub3A_109 = vector.broadcast %sub3A_108 : f32 to vector<1024x1xf32>
    %sub3A_110 = arith.subf %sub3A_109, %min3A_107 : vector<1024x1xf32>
    %log3A_111 = math.log %sub3A_110 : vector<1024x1xf32>
    %neg3A_112 = arith.constant 0.000000e+00 : f32
    %neg3A_113 = vector.broadcast %neg3A_112 : f32 to vector<1024x1xf32>
    %neg3A_114 = arith.subf %neg3A_113, %log3A_111 : vector<1024x1xf32>
    %reduce_sum3A_115 = vector.shape_cast %neg3A_114 : vector<1024x1xf32> to vector<1x1024x1xf32>
    %reduce_sum3A_116 = arith.constant dense<0.000000e+00> : vector<1xf32>
    %reduce_sum3A_117 = vector.multi_reduction <add>, %reduce_sum3A_115, %reduce_sum3A_116 [1, 2] : vector<1x1024x1xf32> to vector<1xf32>
    %reduce_sum3A_118 = vector.shape_cast %reduce_sum3A_117 : vector<1xf32> to vector<1x1x1xf32>
    %reduce_sum3A_119 = vector.extract %reduce_sum3A_118[0, 0, 0] : f32 from vector<1x1x1xf32>
    %add3A_120 = arith.addf %add3A_86, %reduce_sum3A_119 : f32
    %get3A_121 = arith.constant 3 : index
    %get3A_122 = arith.constant 0 : index
    %get3A_123 = arith.constant 0 : index
    %get3A_124 = vector.load %arg3[%get3A_121, %get3A_122, %get3A_123] : memref<20x1024x64xf32, #tpu.memory_space<vmem>>, vector<1x1024x64xf32>
    %get3A_125 = vector.shape_cast %get3A_124 : vector<1x1024x64xf32> to vector<1024x64xf32>
    %mul3A_126 = arith.mulf %get3A_1, %get3A_125 : vector<1024x64xf32>
    %reduce_sum3A_127 = arith.constant dense<0.000000e+00> : vector<1024xf32>
    %reduce_sum3A_128 = vector.multi_reduction <add>, %mul3A_126, %reduce_sum3A_127 [1] : vector<1024x64xf32> to vector<1024xf32>
    %broadcast_in_dim3A_129 = vector.shape_cast %reduce_sum3A_128 : vector<1024xf32> to vector<1024x1xf32>
    %logistic3A_130 = arith.negf %broadcast_in_dim3A_129 : vector<1024x1xf32>
    %logistic3A_131 = math.exp %logistic3A_130 : vector<1024x1xf32>
    %logistic3A_132 = arith.constant 1.000000e+00 : f32
    %logistic3A_133 = vector.broadcast %logistic3A_132 : f32 to vector<1024x1xf32>
    %logistic3A_134 = arith.addf %logistic3A_133, %logistic3A_131 : vector<1024x1xf32>
    %logistic3A_135 = arith.divf %logistic3A_133, %logistic3A_134 : vector<1024x1xf32>
    %jit3A_136 = arith.constant 1.000000e-10 : f32
    %jit3A_137 = arith.constant 1.000000e+00 : f32
    %max3A_138 = vector.broadcast %jit3A_136 : f32 to vector<1024x1xf32>
    %max3A_139 = arith.maximumf %max3A_138, %logistic3A_135 : vector<1024x1xf32>
    %min3A_140 = vector.broadcast %jit3A_137 : f32 to vector<1024x1xf32>
    %min3A_141 = arith.minimumf %min3A_140, %max3A_139 : vector<1024x1xf32>
    %sub3A_142 = arith.constant 1.000000e+00 : f32
    %sub3A_143 = vector.broadcast %sub3A_142 : f32 to vector<1024x1xf32>
    %sub3A_144 = arith.subf %sub3A_143, %min3A_141 : vector<1024x1xf32>
    %log3A_145 = math.log %sub3A_144 : vector<1024x1xf32>
    %neg3A_146 = arith.constant 0.000000e+00 : f32
    %neg3A_147 = vector.broadcast %neg3A_146 : f32 to vector<1024x1xf32>
    %neg3A_148 = arith.subf %neg3A_147, %log3A_145 : vector<1024x1xf32>
    %reduce_sum3A_149 = vector.shape_cast %neg3A_148 : vector<1024x1xf32> to vector<1x1024x1xf32>
    %reduce_sum3A_150 = arith.constant dense<0.000000e+00> : vector<1xf32>
    %reduce_sum3A_151 = vector.multi_reduction <add>, %reduce_sum3A_149, %reduce_sum3A_150 [1, 2] : vector<1x1024x1xf32> to vector<1xf32>
    %reduce_sum3A_152 = vector.shape_cast %reduce_sum3A_151 : vector<1xf32> to vector<1x1x1xf32>
    %reduce_sum3A_153 = vector.extract %reduce_sum3A_152[0, 0, 0] : f32 from vector<1x1x1xf32>
    %add3A_154 = arith.addf %add3A_120, %reduce_sum3A_153 : f32
    %get3A_155 = arith.constant 4 : index
    %get3A_156 = arith.constant 0 : index
    %get3A_157 = arith.constant 0 : index
    %get3A_158 = vector.load %arg3[%get3A_155, %get3A_156, %get3A_157] : memref<20x1024x64xf32, #tpu.memory_space<vmem>>, vector<1x1024x64xf32>
    %get3A_159 = vector.shape_cast %get3A_158 : vector<1x1024x64xf32> to vector<1024x64xf32>
    %mul3A_160 = arith.mulf %get3A_1, %get3A_159 : vector<1024x64xf32>
    %reduce_sum3A_161 = arith.constant dense<0.000000e+00> : vector<1024xf32>
    %reduce_sum3A_162 = vector.multi_reduction <add>, %mul3A_160, %reduce_sum3A_161 [1] : vector<1024x64xf32> to vector<1024xf32>
    %broadcast_in_dim3A_163 = vector.shape_cast %reduce_sum3A_162 : vector<1024xf32> to vector<1024x1xf32>
    %logistic3A_164 = arith.negf %broadcast_in_dim3A_163 : vector<1024x1xf32>
    %logistic3A_165 = math.exp %logistic3A_164 : vector<1024x1xf32>
    %logistic3A_166 = arith.constant 1.000000e+00 : f32
    %logistic3A_167 = vector.broadcast %logistic3A_166 : f32 to vector<1024x1xf32>
    %logistic3A_168 = arith.addf %logistic3A_167, %logistic3A_165 : vector<1024x1xf32>
    %logistic3A_169 = arith.divf %logistic3A_167, %logistic3A_168 : vector<1024x1xf32>
    %jit3A_170 = arith.constant 1.000000e-10 : f32
    %jit3A_171 = arith.constant 1.000000e+00 : f32
    %max3A_172 = vector.broadcast %jit3A_170 : f32 to vector<1024x1xf32>
    %max3A_173 = arith.maximumf %max3A_172, %logistic3A_169 : vector<1024x1xf32>
    %min3A_174 = vector.broadcast %jit3A_171 : f32 to vector<1024x1xf32>
    %min3A_175 = arith.minimumf %min3A_174, %max3A_173 : vector<1024x1xf32>
    %sub3A_176 = arith.constant 1.000000e+00 : f32
    %sub3A_177 = vector.broadcast %sub3A_176 : f32 to vector<1024x1xf32>
    %sub3A_178 = arith.subf %sub3A_177, %min3A_175 : vector<1024x1xf32>
    %log3A_179 = math.log %sub3A_178 : vector<1024x1xf32>
    %neg3A_180 = arith.constant 0.000000e+00 : f32
    %neg3A_181 = vector.broadcast %neg3A_180 : f32 to vector<1024x1xf32>
    %neg3A_182 = arith.subf %neg3A_181, %log3A_179 : vector<1024x1xf32>
    %reduce_sum3A_183 = vector.shape_cast %neg3A_182 : vector<1024x1xf32> to vector<1x1024x1xf32>
    %reduce_sum3A_184 = arith.constant dense<0.000000e+00> : vector<1xf32>
    %reduce_sum3A_185 = vector.multi_reduction <add>, %reduce_sum3A_183, %reduce_sum3A_184 [1, 2] : vector<1x1024x1xf32> to vector<1xf32>
    %reduce_sum3A_186 = vector.shape_cast %reduce_sum3A_185 : vector<1xf32> to vector<1x1x1xf32>
    %reduce_sum3A_187 = vector.extract %reduce_sum3A_186[0, 0, 0] : f32 from vector<1x1x1xf32>
    %add3A_188 = arith.addf %add3A_154, %reduce_sum3A_187 : f32
    %get3A_189 = arith.constant 5 : index
    %get3A_190 = arith.constant 0 : index
    %get3A_191 = arith.constant 0 : index
    %get3A_192 = vector.load %arg3[%get3A_189, %get3A_190, %get3A_191] : memref<20x1024x64xf32, #tpu.memory_space<vmem>>, vector<1x1024x64xf32>
    %get3A_193 = vector.shape_cast %get3A_192 : vector<1x1024x64xf32> to vector<1024x64xf32>
    %mul3A_194 = arith.mulf %get3A_1, %get3A_193 : vector<1024x64xf32>
    %reduce_sum3A_195 = arith.constant dense<0.000000e+00> : vector<1024xf32>
    %reduce_sum3A_196 = vector.multi_reduction <add>, %mul3A_194, %reduce_sum3A_195 [1] : vector<1024x64xf32> to vector<1024xf32>
    %broadcast_in_dim3A_197 = vector.shape_cast %reduce_sum3A_196 : vector<1024xf32> to vector<1024x1xf32>
    %logistic3A_198 = arith.negf %broadcast_in_dim3A_197 : vector<1024x1xf32>
    %logistic3A_199 = math.exp %logistic3A_198 : vector<1024x1xf32>
    %logistic3A_200 = arith.constant 1.000000e+00 : f32
    %logistic3A_201 = vector.broadcast %logistic3A_200 : f32 to vector<1024x1xf32>
    %logistic3A_202 = arith.addf %logistic3A_201, %logistic3A_199 : vector<1024x1xf32>
    %logistic3A_203 = arith.divf %logistic3A_201, %logistic3A_202 : vector<1024x1xf32>
    %jit3A_204 = arith.constant 1.000000e-10 : f32
    %jit3A_205 = arith.constant 1.000000e+00 : f32
    %max3A_206 = vector.broadcast %jit3A_204 : f32 to vector<1024x1xf32>
    %max3A_207 = arith.maximumf %max3A_206, %logistic3A_203 : vector<1024x1xf32>
    %min3A_208 = vector.broadcast %jit3A_205 : f32 to vector<1024x1xf32>
    %min3A_209 = arith.minimumf %min3A_208, %max3A_207 : vector<1024x1xf32>
    %sub3A_210 = arith.constant 1.000000e+00 : f32
    %sub3A_211 = vector.broadcast %sub3A_210 : f32 to vector<1024x1xf32>
    %sub3A_212 = arith.subf %sub3A_211, %min3A_209 : vector<1024x1xf32>
    %log3A_213 = math.log %sub3A_212 : vector<1024x1xf32>
    %neg3A_214 = arith.constant 0.000000e+00 : f32
    %neg3A_215 = vector.broadcast %neg3A_214 : f32 to vector<1024x1xf32>
    %neg3A_216 = arith.subf %neg3A_215, %log3A_213 : vector<1024x1xf32>
    %reduce_sum3A_217 = vector.shape_cast %neg3A_216 : vector<1024x1xf32> to vector<1x1024x1xf32>
    %reduce_sum3A_218 = arith.constant dense<0.000000e+00> : vector<1xf32>
    %reduce_sum3A_219 = vector.multi_reduction <add>, %reduce_sum3A_217, %reduce_sum3A_218 [1, 2] : vector<1x1024x1xf32> to vector<1xf32>
    %reduce_sum3A_220 = vector.shape_cast %reduce_sum3A_219 : vector<1xf32> to vector<1x1x1xf32>
    %reduce_sum3A_221 = vector.extract %reduce_sum3A_220[0, 0, 0] : f32 from vector<1x1x1xf32>
    %add3A_222 = arith.addf %add3A_188, %reduce_sum3A_221 : f32
    %get3A_223 = arith.constant 6 : index
    %get3A_224 = arith.constant 0 : index
    %get3A_225 = arith.constant 0 : index
    %get3A_226 = vector.load %arg3[%get3A_223, %get3A_224, %get3A_225] : memref<20x1024x64xf32, #tpu.memory_space<vmem>>, vector<1x1024x64xf32>
    %get3A_227 = vector.shape_cast %get3A_226 : vector<1x1024x64xf32> to vector<1024x64xf32>
    %mul3A_228 = arith.mulf %get3A_1, %get3A_227 : vector<1024x64xf32>
    %reduce_sum3A_229 = arith.constant dense<0.000000e+00> : vector<1024xf32>
    %reduce_sum3A_230 = vector.multi_reduction <add>, %mul3A_228, %reduce_sum3A_229 [1] : vector<1024x64xf32> to vector<1024xf32>
    %broadcast_in_dim3A_231 = vector.shape_cast %reduce_sum3A_230 : vector<1024xf32> to vector<1024x1xf32>
    %logistic3A_232 = arith.negf %broadcast_in_dim3A_231 : vector<1024x1xf32>
    %logistic3A_233 = math.exp %logistic3A_232 : vector<1024x1xf32>
    %logistic3A_234 = arith.constant 1.000000e+00 : f32
    %logistic3A_235 = vector.broadcast %logistic3A_234 : f32 to vector<1024x1xf32>
    %logistic3A_236 = arith.addf %logistic3A_235, %logistic3A_233 : vector<1024x1xf32>
    %logistic3A_237 = arith.divf %logistic3A_235, %logistic3A_236 : vector<1024x1xf32>
    %jit3A_238 = arith.constant 1.000000e-10 : f32
    %jit3A_239 = arith.constant 1.000000e+00 : f32
    %max3A_240 = vector.broadcast %jit3A_238 : f32 to vector<1024x1xf32>
    %max3A_241 = arith.maximumf %max3A_240, %logistic3A_237 : vector<1024x1xf32>
    %min3A_242 = vector.broadcast %jit3A_239 : f32 to vector<1024x1xf32>
    %min3A_243 = arith.minimumf %min3A_242, %max3A_241 : vector<1024x1xf32>
    %sub3A_244 = arith.constant 1.000000e+00 : f32
    %sub3A_245 = vector.broadcast %sub3A_244 : f32 to vector<1024x1xf32>
    %sub3A_246 = arith.subf %sub3A_245, %min3A_243 : vector<1024x1xf32>
    %log3A_247 = math.log %sub3A_246 : vector<1024x1xf32>
    %neg3A_248 = arith.constant 0.000000e+00 : f32
    %neg3A_249 = vector.broadcast %neg3A_248 : f32 to vector<1024x1xf32>
    %neg3A_250 = arith.subf %neg3A_249, %log3A_247 : vector<1024x1xf32>
    %reduce_sum3A_251 = vector.shape_cast %neg3A_250 : vector<1024x1xf32> to vector<1x1024x1xf32>
    %reduce_sum3A_252 = arith.constant dense<0.000000e+00> : vector<1xf32>
    %reduce_sum3A_253 = vector.multi_reduction <add>, %reduce_sum3A_251, %reduce_sum3A_252 [1, 2] : vector<1x1024x1xf32> to vector<1xf32>
    %reduce_sum3A_254 = vector.shape_cast %reduce_sum3A_253 : vector<1xf32> to vector<1x1x1xf32>
    %reduce_sum3A_255 = vector.extract %reduce_sum3A_254[0, 0, 0] : f32 from vector<1x1x1xf32>
    %add3A_256 = arith.addf %add3A_222, %reduce_sum3A_255 : f32
    %get3A_257 = arith.constant 7 : index
    %get3A_258 = arith.constant 0 : index
    %get3A_259 = arith.constant 0 : index
    %get3A_260 = vector.load %arg3[%get3A_257, %get3A_258, %get3A_259] : memref<20x1024x64xf32, #tpu.memory_space<vmem>>, vector<1x1024x64xf32>
    %get3A_261 = vector.shape_cast %get3A_260 : vector<1x1024x64xf32> to vector<1024x64xf32>
    %mul3A_262 = arith.mulf %get3A_1, %get3A_261 : vector<1024x64xf32>
    %reduce_sum3A_263 = arith.constant dense<0.000000e+00> : vector<1024xf32>
    %reduce_sum3A_264 = vector.multi_reduction <add>, %mul3A_262, %reduce_sum3A_263 [1] : vector<1024x64xf32> to vector<1024xf32>
    %broadcast_in_dim3A_265 = vector.shape_cast %reduce_sum3A_264 : vector<1024xf32> to vector<1024x1xf32>
    %logistic3A_266 = arith.negf %broadcast_in_dim3A_265 : vector<1024x1xf32>
    %logistic3A_267 = math.exp %logistic3A_266 : vector<1024x1xf32>
    %logistic3A_268 = arith.constant 1.000000e+00 : f32
    %logistic3A_269 = vector.broadcast %logistic3A_268 : f32 to vector<1024x1xf32>
    %logistic3A_270 = arith.addf %logistic3A_269, %logistic3A_267 : vector<1024x1xf32>
    %logistic3A_271 = arith.divf %logistic3A_269, %logistic3A_270 : vector<1024x1xf32>
    %jit3A_272 = arith.constant 1.000000e-10 : f32
    %jit3A_273 = arith.constant 1.000000e+00 : f32
    %max3A_274 = vector.broadcast %jit3A_272 : f32 to vector<1024x1xf32>
    %max3A_275 = arith.maximumf %max3A_274, %logistic3A_271 : vector<1024x1xf32>
    %min3A_276 = vector.broadcast %jit3A_273 : f32 to vector<1024x1xf32>
    %min3A_277 = arith.minimumf %min3A_276, %max3A_275 : vector<1024x1xf32>
    %sub3A_278 = arith.constant 1.000000e+00 : f32
    %sub3A_279 = vector.broadcast %sub3A_278 : f32 to vector<1024x1xf32>
    %sub3A_280 = arith.subf %sub3A_279, %min3A_277 : vector<1024x1xf32>
    %log3A_281 = math.log %sub3A_280 : vector<1024x1xf32>
    %neg3A_282 = arith.constant 0.000000e+00 : f32
    %neg3A_283 = vector.broadcast %neg3A_282 : f32 to vector<1024x1xf32>
    %neg3A_284 = arith.subf %neg3A_283, %log3A_281 : vector<1024x1xf32>
    %reduce_sum3A_285 = vector.shape_cast %neg3A_284 : vector<1024x1xf32> to vector<1x1024x1xf32>
    %reduce_sum3A_286 = arith.constant dense<0.000000e+00> : vector<1xf32>
    %reduce_sum3A_287 = vector.multi_reduction <add>, %reduce_sum3A_285, %reduce_sum3A_286 [1, 2] : vector<1x1024x1xf32> to vector<1xf32>
    %reduce_sum3A_288 = vector.shape_cast %reduce_sum3A_287 : vector<1xf32> to vector<1x1x1xf32>
    %reduce_sum3A_289 = vector.extract %reduce_sum3A_288[0, 0, 0] : f32 from vector<1x1x1xf32>
    %add3A_290 = arith.addf %add3A_256, %reduce_sum3A_289 : f32
    %get3A_291 = arith.constant 8 : index
    %get3A_292 = arith.constant 0 : index
    %get3A_293 = arith.constant 0 : index
    %get3A_294 = vector.load %arg3[%get3A_291, %get3A_292, %get3A_293] : memref<20x1024x64xf32, #tpu.memory_space<vmem>>, vector<1x1024x64xf32>
    %get3A_295 = vector.shape_cast %get3A_294 : vector<1x1024x64xf32> to vector<1024x64xf32>
    %mul3A_296 = arith.mulf %get3A_1, %get3A_295 : vector<1024x64xf32>
    %reduce_sum3A_297 = arith.constant dense<0.000000e+00> : vector<1024xf32>
    %reduce_sum3A_298 = vector.multi_reduction <add>, %mul3A_296, %reduce_sum3A_297 [1] : vector<1024x64xf32> to vector<1024xf32>
    %broadcast_in_dim3A_299 = vector.shape_cast %reduce_sum3A_298 : vector<1024xf32> to vector<1024x1xf32>
    %logistic3A_300 = arith.negf %broadcast_in_dim3A_299 : vector<1024x1xf32>
    %logistic3A_301 = math.exp %logistic3A_300 : vector<1024x1xf32>
    %logistic3A_302 = arith.constant 1.000000e+00 : f32
    %logistic3A_303 = vector.broadcast %logistic3A_302 : f32 to vector<1024x1xf32>
    %logistic3A_304 = arith.addf %logistic3A_303, %logistic3A_301 : vector<1024x1xf32>
    %logistic3A_305 = arith.divf %logistic3A_303, %logistic3A_304 : vector<1024x1xf32>
    %jit3A_306 = arith.constant 1.000000e-10 : f32
    %jit3A_307 = arith.constant 1.000000e+00 : f32
    %max3A_308 = vector.broadcast %jit3A_306 : f32 to vector<1024x1xf32>
    %max3A_309 = arith.maximumf %max3A_308, %logistic3A_305 : vector<1024x1xf32>
    %min3A_310 = vector.broadcast %jit3A_307 : f32 to vector<1024x1xf32>
    %min3A_311 = arith.minimumf %min3A_310, %max3A_309 : vector<1024x1xf32>
    %sub3A_312 = arith.constant 1.000000e+00 : f32
    %sub3A_313 = vector.broadcast %sub3A_312 : f32 to vector<1024x1xf32>
    %sub3A_314 = arith.subf %sub3A_313, %min3A_311 : vector<1024x1xf32>
    %log3A_315 = math.log %sub3A_314 : vector<1024x1xf32>
    %neg3A_316 = arith.constant 0.000000e+00 : f32
    %neg3A_317 = vector.broadcast %neg3A_316 : f32 to vector<1024x1xf32>
    %neg3A_318 = arith.subf %neg3A_317, %log3A_315 : vector<1024x1xf32>
    %reduce_sum3A_319 = vector.shape_cast %neg3A_318 : vector<1024x1xf32> to vector<1x1024x1xf32>
    %reduce_sum3A_320 = arith.constant dense<0.000000e+00> : vector<1xf32>
    %reduce_sum3A_321 = vector.multi_reduction <add>, %reduce_sum3A_319, %reduce_sum3A_320 [1, 2] : vector<1x1024x1xf32> to vector<1xf32>
    %reduce_sum3A_322 = vector.shape_cast %reduce_sum3A_321 : vector<1xf32> to vector<1x1x1xf32>
    %reduce_sum3A_323 = vector.extract %reduce_sum3A_322[0, 0, 0] : f32 from vector<1x1x1xf32>
    %add3A_324 = arith.addf %add3A_290, %reduce_sum3A_323 : f32
    %get3A_325 = arith.constant 9 : index
    %get3A_326 = arith.constant 0 : index
    %get3A_327 = arith.constant 0 : index
    %get3A_328 = vector.load %arg3[%get3A_325, %get3A_326, %get3A_327] : memref<20x1024x64xf32, #tpu.memory_space<vmem>>, vector<1x1024x64xf32>
    %get3A_329 = vector.shape_cast %get3A_328 : vector<1x1024x64xf32> to vector<1024x64xf32>
    %mul3A_330 = arith.mulf %get3A_1, %get3A_329 : vector<1024x64xf32>
    %reduce_sum3A_331 = arith.constant dense<0.000000e+00> : vector<1024xf32>
    %reduce_sum3A_332 = vector.multi_reduction <add>, %mul3A_330, %reduce_sum3A_331 [1] : vector<1024x64xf32> to vector<1024xf32>
    %broadcast_in_dim3A_333 = vector.shape_cast %reduce_sum3A_332 : vector<1024xf32> to vector<1024x1xf32>
    %logistic3A_334 = arith.negf %broadcast_in_dim3A_333 : vector<1024x1xf32>
    %logistic3A_335 = math.exp %logistic3A_334 : vector<1024x1xf32>
    %logistic3A_336 = arith.constant 1.000000e+00 : f32
    %logistic3A_337 = vector.broadcast %logistic3A_336 : f32 to vector<1024x1xf32>
    %logistic3A_338 = arith.addf %logistic3A_337, %logistic3A_335 : vector<1024x1xf32>
    %logistic3A_339 = arith.divf %logistic3A_337, %logistic3A_338 : vector<1024x1xf32>
    %jit3A_340 = arith.constant 1.000000e-10 : f32
    %jit3A_341 = arith.constant 1.000000e+00 : f32
    %max3A_342 = vector.broadcast %jit3A_340 : f32 to vector<1024x1xf32>
    %max3A_343 = arith.maximumf %max3A_342, %logistic3A_339 : vector<1024x1xf32>
    %min3A_344 = vector.broadcast %jit3A_341 : f32 to vector<1024x1xf32>
    %min3A_345 = arith.minimumf %min3A_344, %max3A_343 : vector<1024x1xf32>
    %sub3A_346 = arith.constant 1.000000e+00 : f32
    %sub3A_347 = vector.broadcast %sub3A_346 : f32 to vector<1024x1xf32>
    %sub3A_348 = arith.subf %sub3A_347, %min3A_345 : vector<1024x1xf32>
    %log3A_349 = math.log %sub3A_348 : vector<1024x1xf32>
    %neg3A_350 = arith.constant 0.000000e+00 : f32
    %neg3A_351 = vector.broadcast %neg3A_350 : f32 to vector<1024x1xf32>
    %neg3A_352 = arith.subf %neg3A_351, %log3A_349 : vector<1024x1xf32>
    %reduce_sum3A_353 = vector.shape_cast %neg3A_352 : vector<1024x1xf32> to vector<1x1024x1xf32>
    %reduce_sum3A_354 = arith.constant dense<0.000000e+00> : vector<1xf32>
    %reduce_sum3A_355 = vector.multi_reduction <add>, %reduce_sum3A_353, %reduce_sum3A_354 [1, 2] : vector<1x1024x1xf32> to vector<1xf32>
    %reduce_sum3A_356 = vector.shape_cast %reduce_sum3A_355 : vector<1xf32> to vector<1x1x1xf32>
    %reduce_sum3A_357 = vector.extract %reduce_sum3A_356[0, 0, 0] : f32 from vector<1x1x1xf32>
    %add3A_358 = arith.addf %add3A_324, %reduce_sum3A_357 : f32
    %get3A_359 = arith.constant 10 : index
    %get3A_360 = arith.constant 0 : index
    %get3A_361 = arith.constant 0 : index
    %get3A_362 = vector.load %arg3[%get3A_359, %get3A_360, %get3A_361] : memref<20x1024x64xf32, #tpu.memory_space<vmem>>, vector<1x1024x64xf32>
    %get3A_363 = vector.shape_cast %get3A_362 : vector<1x1024x64xf32> to vector<1024x64xf32>
    %mul3A_364 = arith.mulf %get3A_1, %get3A_363 : vector<1024x64xf32>
    %reduce_sum3A_365 = arith.constant dense<0.000000e+00> : vector<1024xf32>
    %reduce_sum3A_366 = vector.multi_reduction <add>, %mul3A_364, %reduce_sum3A_365 [1] : vector<1024x64xf32> to vector<1024xf32>
    %broadcast_in_dim3A_367 = vector.shape_cast %reduce_sum3A_366 : vector<1024xf32> to vector<1024x1xf32>
    %logistic3A_368 = arith.negf %broadcast_in_dim3A_367 : vector<1024x1xf32>
    %logistic3A_369 = math.exp %logistic3A_368 : vector<1024x1xf32>
    %logistic3A_370 = arith.constant 1.000000e+00 : f32
    %logistic3A_371 = vector.broadcast %logistic3A_370 : f32 to vector<1024x1xf32>
    %logistic3A_372 = arith.addf %logistic3A_371, %logistic3A_369 : vector<1024x1xf32>
    %logistic3A_373 = arith.divf %logistic3A_371, %logistic3A_372 : vector<1024x1xf32>
    %jit3A_374 = arith.constant 1.000000e-10 : f32
    %jit3A_375 = arith.constant 1.000000e+00 : f32
    %max3A_376 = vector.broadcast %jit3A_374 : f32 to vector<1024x1xf32>
    %max3A_377 = arith.maximumf %max3A_376, %logistic3A_373 : vector<1024x1xf32>
    %min3A_378 = vector.broadcast %jit3A_375 : f32 to vector<1024x1xf32>
    %min3A_379 = arith.minimumf %min3A_378, %max3A_377 : vector<1024x1xf32>
    %sub3A_380 = arith.constant 1.000000e+00 : f32
    %sub3A_381 = vector.broadcast %sub3A_380 : f32 to vector<1024x1xf32>
    %sub3A_382 = arith.subf %sub3A_381, %min3A_379 : vector<1024x1xf32>
    %log3A_383 = math.log %sub3A_382 : vector<1024x1xf32>
    %neg3A_384 = arith.constant 0.000000e+00 : f32
    %neg3A_385 = vector.broadcast %neg3A_384 : f32 to vector<1024x1xf32>
    %neg3A_386 = arith.subf %neg3A_385, %log3A_383 : vector<1024x1xf32>
    %reduce_sum3A_387 = vector.shape_cast %neg3A_386 : vector<1024x1xf32> to vector<1x1024x1xf32>
    %reduce_sum3A_388 = arith.constant dense<0.000000e+00> : vector<1xf32>
    %reduce_sum3A_389 = vector.multi_reduction <add>, %reduce_sum3A_387, %reduce_sum3A_388 [1, 2] : vector<1x1024x1xf32> to vector<1xf32>
    %reduce_sum3A_390 = vector.shape_cast %reduce_sum3A_389 : vector<1xf32> to vector<1x1x1xf32>
    %reduce_sum3A_391 = vector.extract %reduce_sum3A_390[0, 0, 0] : f32 from vector<1x1x1xf32>
    %add3A_392 = arith.addf %add3A_358, %reduce_sum3A_391 : f32
    %get3A_393 = arith.constant 11 : index
    %get3A_394 = arith.constant 0 : index
    %get3A_395 = arith.constant 0 : index
    %get3A_396 = vector.load %arg3[%get3A_393, %get3A_394, %get3A_395] : memref<20x1024x64xf32, #tpu.memory_space<vmem>>, vector<1x1024x64xf32>
    %get3A_397 = vector.shape_cast %get3A_396 : vector<1x1024x64xf32> to vector<1024x64xf32>
    %mul3A_398 = arith.mulf %get3A_1, %get3A_397 : vector<1024x64xf32>
    %reduce_sum3A_399 = arith.constant dense<0.000000e+00> : vector<1024xf32>
    %reduce_sum3A_400 = vector.multi_reduction <add>, %mul3A_398, %reduce_sum3A_399 [1] : vector<1024x64xf32> to vector<1024xf32>
    %broadcast_in_dim3A_401 = vector.shape_cast %reduce_sum3A_400 : vector<1024xf32> to vector<1024x1xf32>
    %logistic3A_402 = arith.negf %broadcast_in_dim3A_401 : vector<1024x1xf32>
    %logistic3A_403 = math.exp %logistic3A_402 : vector<1024x1xf32>
    %logistic3A_404 = arith.constant 1.000000e+00 : f32
    %logistic3A_405 = vector.broadcast %logistic3A_404 : f32 to vector<1024x1xf32>
    %logistic3A_406 = arith.addf %logistic3A_405, %logistic3A_403 : vector<1024x1xf32>
    %logistic3A_407 = arith.divf %logistic3A_405, %logistic3A_406 : vector<1024x1xf32>
    %jit3A_408 = arith.constant 1.000000e-10 : f32
    %jit3A_409 = arith.constant 1.000000e+00 : f32
    %max3A_410 = vector.broadcast %jit3A_408 : f32 to vector<1024x1xf32>
    %max3A_411 = arith.maximumf %max3A_410, %logistic3A_407 : vector<1024x1xf32>
    %min3A_412 = vector.broadcast %jit3A_409 : f32 to vector<1024x1xf32>
    %min3A_413 = arith.minimumf %min3A_412, %max3A_411 : vector<1024x1xf32>
    %sub3A_414 = arith.constant 1.000000e+00 : f32
    %sub3A_415 = vector.broadcast %sub3A_414 : f32 to vector<1024x1xf32>
    %sub3A_416 = arith.subf %sub3A_415, %min3A_413 : vector<1024x1xf32>
    %log3A_417 = math.log %sub3A_416 : vector<1024x1xf32>
    %neg3A_418 = arith.constant 0.000000e+00 : f32
    %neg3A_419 = vector.broadcast %neg3A_418 : f32 to vector<1024x1xf32>
    %neg3A_420 = arith.subf %neg3A_419, %log3A_417 : vector<1024x1xf32>
    %reduce_sum3A_421 = vector.shape_cast %neg3A_420 : vector<1024x1xf32> to vector<1x1024x1xf32>
    %reduce_sum3A_422 = arith.constant dense<0.000000e+00> : vector<1xf32>
    %reduce_sum3A_423 = vector.multi_reduction <add>, %reduce_sum3A_421, %reduce_sum3A_422 [1, 2] : vector<1x1024x1xf32> to vector<1xf32>
    %reduce_sum3A_424 = vector.shape_cast %reduce_sum3A_423 : vector<1xf32> to vector<1x1x1xf32>
    %reduce_sum3A_425 = vector.extract %reduce_sum3A_424[0, 0, 0] : f32 from vector<1x1x1xf32>
    %add3A_426 = arith.addf %add3A_392, %reduce_sum3A_425 : f32
    %get3A_427 = arith.constant 12 : index
    %get3A_428 = arith.constant 0 : index
    %get3A_429 = arith.constant 0 : index
    %get3A_430 = vector.load %arg3[%get3A_427, %get3A_428, %get3A_429] : memref<20x1024x64xf32, #tpu.memory_space<vmem>>, vector<1x1024x64xf32>
    %get3A_431 = vector.shape_cast %get3A_430 : vector<1x1024x64xf32> to vector<1024x64xf32>
    %mul3A_432 = arith.mulf %get3A_1, %get3A_431 : vector<1024x64xf32>
    %reduce_sum3A_433 = arith.constant dense<0.000000e+00> : vector<1024xf32>
    %reduce_sum3A_434 = vector.multi_reduction <add>, %mul3A_432, %reduce_sum3A_433 [1] : vector<1024x64xf32> to vector<1024xf32>
    %broadcast_in_dim3A_435 = vector.shape_cast %reduce_sum3A_434 : vector<1024xf32> to vector<1024x1xf32>
    %logistic3A_436 = arith.negf %broadcast_in_dim3A_435 : vector<1024x1xf32>
    %logistic3A_437 = math.exp %logistic3A_436 : vector<1024x1xf32>
    %logistic3A_438 = arith.constant 1.000000e+00 : f32
    %logistic3A_439 = vector.broadcast %logistic3A_438 : f32 to vector<1024x1xf32>
    %logistic3A_440 = arith.addf %logistic3A_439, %logistic3A_437 : vector<1024x1xf32>
    %logistic3A_441 = arith.divf %logistic3A_439, %logistic3A_440 : vector<1024x1xf32>
    %jit3A_442 = arith.constant 1.000000e-10 : f32
    %jit3A_443 = arith.constant 1.000000e+00 : f32
    %max3A_444 = vector.broadcast %jit3A_442 : f32 to vector<1024x1xf32>
    %max3A_445 = arith.maximumf %max3A_444, %logistic3A_441 : vector<1024x1xf32>
    %min3A_446 = vector.broadcast %jit3A_443 : f32 to vector<1024x1xf32>
    %min3A_447 = arith.minimumf %min3A_446, %max3A_445 : vector<1024x1xf32>
    %sub3A_448 = arith.constant 1.000000e+00 : f32
    %sub3A_449 = vector.broadcast %sub3A_448 : f32 to vector<1024x1xf32>
    %sub3A_450 = arith.subf %sub3A_449, %min3A_447 : vector<1024x1xf32>
    %log3A_451 = math.log %sub3A_450 : vector<1024x1xf32>
    %neg3A_452 = arith.constant 0.000000e+00 : f32
    %neg3A_453 = vector.broadcast %neg3A_452 : f32 to vector<1024x1xf32>
    %neg3A_454 = arith.subf %neg3A_453, %log3A_451 : vector<1024x1xf32>
    %reduce_sum3A_455 = vector.shape_cast %neg3A_454 : vector<1024x1xf32> to vector<1x1024x1xf32>
    %reduce_sum3A_456 = arith.constant dense<0.000000e+00> : vector<1xf32>
    %reduce_sum3A_457 = vector.multi_reduction <add>, %reduce_sum3A_455, %reduce_sum3A_456 [1, 2] : vector<1x1024x1xf32> to vector<1xf32>
    %reduce_sum3A_458 = vector.shape_cast %reduce_sum3A_457 : vector<1xf32> to vector<1x1x1xf32>
    %reduce_sum3A_459 = vector.extract %reduce_sum3A_458[0, 0, 0] : f32 from vector<1x1x1xf32>
    %add3A_460 = arith.addf %add3A_426, %reduce_sum3A_459 : f32
    %get3A_461 = arith.constant 13 : index
    %get3A_462 = arith.constant 0 : index
    %get3A_463 = arith.constant 0 : index
    %get3A_464 = vector.load %arg3[%get3A_461, %get3A_462, %get3A_463] : memref<20x1024x64xf32, #tpu.memory_space<vmem>>, vector<1x1024x64xf32>
    %get3A_465 = vector.shape_cast %get3A_464 : vector<1x1024x64xf32> to vector<1024x64xf32>
    %mul3A_466 = arith.mulf %get3A_1, %get3A_465 : vector<1024x64xf32>
    %reduce_sum3A_467 = arith.constant dense<0.000000e+00> : vector<1024xf32>
    %reduce_sum3A_468 = vector.multi_reduction <add>, %mul3A_466, %reduce_sum3A_467 [1] : vector<1024x64xf32> to vector<1024xf32>
    %broadcast_in_dim3A_469 = vector.shape_cast %reduce_sum3A_468 : vector<1024xf32> to vector<1024x1xf32>
    %logistic3A_470 = arith.negf %broadcast_in_dim3A_469 : vector<1024x1xf32>
    %logistic3A_471 = math.exp %logistic3A_470 : vector<1024x1xf32>
    %logistic3A_472 = arith.constant 1.000000e+00 : f32
    %logistic3A_473 = vector.broadcast %logistic3A_472 : f32 to vector<1024x1xf32>
    %logistic3A_474 = arith.addf %logistic3A_473, %logistic3A_471 : vector<1024x1xf32>
    %logistic3A_475 = arith.divf %logistic3A_473, %logistic3A_474 : vector<1024x1xf32>
    %jit3A_476 = arith.constant 1.000000e-10 : f32
    %jit3A_477 = arith.constant 1.000000e+00 : f32
    %max3A_478 = vector.broadcast %jit3A_476 : f32 to vector<1024x1xf32>
    %max3A_479 = arith.maximumf %max3A_478, %logistic3A_475 : vector<1024x1xf32>
    %min3A_480 = vector.broadcast %jit3A_477 : f32 to vector<1024x1xf32>
    %min3A_481 = arith.minimumf %min3A_480, %max3A_479 : vector<1024x1xf32>
    %sub3A_482 = arith.constant 1.000000e+00 : f32
    %sub3A_483 = vector.broadcast %sub3A_482 : f32 to vector<1024x1xf32>
    %sub3A_484 = arith.subf %sub3A_483, %min3A_481 : vector<1024x1xf32>
    %log3A_485 = math.log %sub3A_484 : vector<1024x1xf32>
    %neg3A_486 = arith.constant 0.000000e+00 : f32
    %neg3A_487 = vector.broadcast %neg3A_486 : f32 to vector<1024x1xf32>
    %neg3A_488 = arith.subf %neg3A_487, %log3A_485 : vector<1024x1xf32>
    %reduce_sum3A_489 = vector.shape_cast %neg3A_488 : vector<1024x1xf32> to vector<1x1024x1xf32>
    %reduce_sum3A_490 = arith.constant dense<0.000000e+00> : vector<1xf32>
    %reduce_sum3A_491 = vector.multi_reduction <add>, %reduce_sum3A_489, %reduce_sum3A_490 [1, 2] : vector<1x1024x1xf32> to vector<1xf32>
    %reduce_sum3A_492 = vector.shape_cast %reduce_sum3A_491 : vector<1xf32> to vector<1x1x1xf32>
    %reduce_sum3A_493 = vector.extract %reduce_sum3A_492[0, 0, 0] : f32 from vector<1x1x1xf32>
    %add3A_494 = arith.addf %add3A_460, %reduce_sum3A_493 : f32
    %get3A_495 = arith.constant 14 : index
    %get3A_496 = arith.constant 0 : index
    %get3A_497 = arith.constant 0 : index
    %get3A_498 = vector.load %arg3[%get3A_495, %get3A_496, %get3A_497] : memref<20x1024x64xf32, #tpu.memory_space<vmem>>, vector<1x1024x64xf32>
    %get3A_499 = vector.shape_cast %get3A_498 : vector<1x1024x64xf32> to vector<1024x64xf32>
    %mul3A_500 = arith.mulf %get3A_1, %get3A_499 : vector<1024x64xf32>
    %reduce_sum3A_501 = arith.constant dense<0.000000e+00> : vector<1024xf32>
    %reduce_sum3A_502 = vector.multi_reduction <add>, %mul3A_500, %reduce_sum3A_501 [1] : vector<1024x64xf32> to vector<1024xf32>
    %broadcast_in_dim3A_503 = vector.shape_cast %reduce_sum3A_502 : vector<1024xf32> to vector<1024x1xf32>
    %logistic3A_504 = arith.negf %broadcast_in_dim3A_503 : vector<1024x1xf32>
    %logistic3A_505 = math.exp %logistic3A_504 : vector<1024x1xf32>
    %logistic3A_506 = arith.constant 1.000000e+00 : f32
    %logistic3A_507 = vector.broadcast %logistic3A_506 : f32 to vector<1024x1xf32>
    %logistic3A_508 = arith.addf %logistic3A_507, %logistic3A_505 : vector<1024x1xf32>
    %logistic3A_509 = arith.divf %logistic3A_507, %logistic3A_508 : vector<1024x1xf32>
    %jit3A_510 = arith.constant 1.000000e-10 : f32
    %jit3A_511 = arith.constant 1.000000e+00 : f32
    %max3A_512 = vector.broadcast %jit3A_510 : f32 to vector<1024x1xf32>
    %max3A_513 = arith.maximumf %max3A_512, %logistic3A_509 : vector<1024x1xf32>
    %min3A_514 = vector.broadcast %jit3A_511 : f32 to vector<1024x1xf32>
    %min3A_515 = arith.minimumf %min3A_514, %max3A_513 : vector<1024x1xf32>
    %sub3A_516 = arith.constant 1.000000e+00 : f32
    %sub3A_517 = vector.broadcast %sub3A_516 : f32 to vector<1024x1xf32>
    %sub3A_518 = arith.subf %sub3A_517, %min3A_515 : vector<1024x1xf32>
    %log3A_519 = math.log %sub3A_518 : vector<1024x1xf32>
    %neg3A_520 = arith.constant 0.000000e+00 : f32
    %neg3A_521 = vector.broadcast %neg3A_520 : f32 to vector<1024x1xf32>
    %neg3A_522 = arith.subf %neg3A_521, %log3A_519 : vector<1024x1xf32>
    %reduce_sum3A_523 = vector.shape_cast %neg3A_522 : vector<1024x1xf32> to vector<1x1024x1xf32>
    %reduce_sum3A_524 = arith.constant dense<0.000000e+00> : vector<1xf32>
    %reduce_sum3A_525 = vector.multi_reduction <add>, %reduce_sum3A_523, %reduce_sum3A_524 [1, 2] : vector<1x1024x1xf32> to vector<1xf32>
    %reduce_sum3A_526 = vector.shape_cast %reduce_sum3A_525 : vector<1xf32> to vector<1x1x1xf32>
    %reduce_sum3A_527 = vector.extract %reduce_sum3A_526[0, 0, 0] : f32 from vector<1x1x1xf32>
    %add3A_528 = arith.addf %add3A_494, %reduce_sum3A_527 : f32
    %get3A_529 = arith.constant 15 : index
    %get3A_530 = arith.constant 0 : index
    %get3A_531 = arith.constant 0 : index
    %get3A_532 = vector.load %arg3[%get3A_529, %get3A_530, %get3A_531] : memref<20x1024x64xf32, #tpu.memory_space<vmem>>, vector<1x1024x64xf32>
    %get3A_533 = vector.shape_cast %get3A_532 : vector<1x1024x64xf32> to vector<1024x64xf32>
    %mul3A_534 = arith.mulf %get3A_1, %get3A_533 : vector<1024x64xf32>
    %reduce_sum3A_535 = arith.constant dense<0.000000e+00> : vector<1024xf32>
    %reduce_sum3A_536 = vector.multi_reduction <add>, %mul3A_534, %reduce_sum3A_535 [1] : vector<1024x64xf32> to vector<1024xf32>
    %broadcast_in_dim3A_537 = vector.shape_cast %reduce_sum3A_536 : vector<1024xf32> to vector<1024x1xf32>
    %logistic3A_538 = arith.negf %broadcast_in_dim3A_537 : vector<1024x1xf32>
    %logistic3A_539 = math.exp %logistic3A_538 : vector<1024x1xf32>
    %logistic3A_540 = arith.constant 1.000000e+00 : f32
    %logistic3A_541 = vector.broadcast %logistic3A_540 : f32 to vector<1024x1xf32>
    %logistic3A_542 = arith.addf %logistic3A_541, %logistic3A_539 : vector<1024x1xf32>
    %logistic3A_543 = arith.divf %logistic3A_541, %logistic3A_542 : vector<1024x1xf32>
    %jit3A_544 = arith.constant 1.000000e-10 : f32
    %jit3A_545 = arith.constant 1.000000e+00 : f32
    %max3A_546 = vector.broadcast %jit3A_544 : f32 to vector<1024x1xf32>
    %max3A_547 = arith.maximumf %max3A_546, %logistic3A_543 : vector<1024x1xf32>
    %min3A_548 = vector.broadcast %jit3A_545 : f32 to vector<1024x1xf32>
    %min3A_549 = arith.minimumf %min3A_548, %max3A_547 : vector<1024x1xf32>
    %sub3A_550 = arith.constant 1.000000e+00 : f32
    %sub3A_551 = vector.broadcast %sub3A_550 : f32 to vector<1024x1xf32>
    %sub3A_552 = arith.subf %sub3A_551, %min3A_549 : vector<1024x1xf32>
    %log3A_553 = math.log %sub3A_552 : vector<1024x1xf32>
    %neg3A_554 = arith.constant 0.000000e+00 : f32
    %neg3A_555 = vector.broadcast %neg3A_554 : f32 to vector<1024x1xf32>
    %neg3A_556 = arith.subf %neg3A_555, %log3A_553 : vector<1024x1xf32>
    %reduce_sum3A_557 = vector.shape_cast %neg3A_556 : vector<1024x1xf32> to vector<1x1024x1xf32>
    %reduce_sum3A_558 = arith.constant dense<0.000000e+00> : vector<1xf32>
    %reduce_sum3A_559 = vector.multi_reduction <add>, %reduce_sum3A_557, %reduce_sum3A_558 [1, 2] : vector<1x1024x1xf32> to vector<1xf32>
    %reduce_sum3A_560 = vector.shape_cast %reduce_sum3A_559 : vector<1xf32> to vector<1x1x1xf32>
    %reduce_sum3A_561 = vector.extract %reduce_sum3A_560[0, 0, 0] : f32 from vector<1x1x1xf32>
    %add3A_562 = arith.addf %add3A_528, %reduce_sum3A_561 : f32
    %get3A_563 = arith.constant 16 : index
    %get3A_564 = arith.constant 0 : index
    %get3A_565 = arith.constant 0 : index
    %get3A_566 = vector.load %arg3[%get3A_563, %get3A_564, %get3A_565] : memref<20x1024x64xf32, #tpu.memory_space<vmem>>, vector<1x1024x64xf32>
    %get3A_567 = vector.shape_cast %get3A_566 : vector<1x1024x64xf32> to vector<1024x64xf32>
    %mul3A_568 = arith.mulf %get3A_1, %get3A_567 : vector<1024x64xf32>
    %reduce_sum3A_569 = arith.constant dense<0.000000e+00> : vector<1024xf32>
    %reduce_sum3A_570 = vector.multi_reduction <add>, %mul3A_568, %reduce_sum3A_569 [1] : vector<1024x64xf32> to vector<1024xf32>
    %broadcast_in_dim3A_571 = vector.shape_cast %reduce_sum3A_570 : vector<1024xf32> to vector<1024x1xf32>
    %logistic3A_572 = arith.negf %broadcast_in_dim3A_571 : vector<1024x1xf32>
    %logistic3A_573 = math.exp %logistic3A_572 : vector<1024x1xf32>
    %logistic3A_574 = arith.constant 1.000000e+00 : f32
    %logistic3A_575 = vector.broadcast %logistic3A_574 : f32 to vector<1024x1xf32>
    %logistic3A_576 = arith.addf %logistic3A_575, %logistic3A_573 : vector<1024x1xf32>
    %logistic3A_577 = arith.divf %logistic3A_575, %logistic3A_576 : vector<1024x1xf32>
    %jit3A_578 = arith.constant 1.000000e-10 : f32
    %jit3A_579 = arith.constant 1.000000e+00 : f32
    %max3A_580 = vector.broadcast %jit3A_578 : f32 to vector<1024x1xf32>
    %max3A_581 = arith.maximumf %max3A_580, %logistic3A_577 : vector<1024x1xf32>
    %min3A_582 = vector.broadcast %jit3A_579 : f32 to vector<1024x1xf32>
    %min3A_583 = arith.minimumf %min3A_582, %max3A_581 : vector<1024x1xf32>
    %sub3A_584 = arith.constant 1.000000e+00 : f32
    %sub3A_585 = vector.broadcast %sub3A_584 : f32 to vector<1024x1xf32>
    %sub3A_586 = arith.subf %sub3A_585, %min3A_583 : vector<1024x1xf32>
    %log3A_587 = math.log %sub3A_586 : vector<1024x1xf32>
    %neg3A_588 = arith.constant 0.000000e+00 : f32
    %neg3A_589 = vector.broadcast %neg3A_588 : f32 to vector<1024x1xf32>
    %neg3A_590 = arith.subf %neg3A_589, %log3A_587 : vector<1024x1xf32>
    %reduce_sum3A_591 = vector.shape_cast %neg3A_590 : vector<1024x1xf32> to vector<1x1024x1xf32>
    %reduce_sum3A_592 = arith.constant dense<0.000000e+00> : vector<1xf32>
    %reduce_sum3A_593 = vector.multi_reduction <add>, %reduce_sum3A_591, %reduce_sum3A_592 [1, 2] : vector<1x1024x1xf32> to vector<1xf32>
    %reduce_sum3A_594 = vector.shape_cast %reduce_sum3A_593 : vector<1xf32> to vector<1x1x1xf32>
    %reduce_sum3A_595 = vector.extract %reduce_sum3A_594[0, 0, 0] : f32 from vector<1x1x1xf32>
    %add3A_596 = arith.addf %add3A_562, %reduce_sum3A_595 : f32
    %get3A_597 = arith.constant 17 : index
    %get3A_598 = arith.constant 0 : index
    %get3A_599 = arith.constant 0 : index
    %get3A_600 = vector.load %arg3[%get3A_597, %get3A_598, %get3A_599] : memref<20x1024x64xf32, #tpu.memory_space<vmem>>, vector<1x1024x64xf32>
    %get3A_601 = vector.shape_cast %get3A_600 : vector<1x1024x64xf32> to vector<1024x64xf32>
    %mul3A_602 = arith.mulf %get3A_1, %get3A_601 : vector<1024x64xf32>
    %reduce_sum3A_603 = arith.constant dense<0.000000e+00> : vector<1024xf32>
    %reduce_sum3A_604 = vector.multi_reduction <add>, %mul3A_602, %reduce_sum3A_603 [1] : vector<1024x64xf32> to vector<1024xf32>
    %broadcast_in_dim3A_605 = vector.shape_cast %reduce_sum3A_604 : vector<1024xf32> to vector<1024x1xf32>
    %logistic3A_606 = arith.negf %broadcast_in_dim3A_605 : vector<1024x1xf32>
    %logistic3A_607 = math.exp %logistic3A_606 : vector<1024x1xf32>
    %logistic3A_608 = arith.constant 1.000000e+00 : f32
    %logistic3A_609 = vector.broadcast %logistic3A_608 : f32 to vector<1024x1xf32>
    %logistic3A_610 = arith.addf %logistic3A_609, %logistic3A_607 : vector<1024x1xf32>
    %logistic3A_611 = arith.divf %logistic3A_609, %logistic3A_610 : vector<1024x1xf32>
    %jit3A_612 = arith.constant 1.000000e-10 : f32
    %jit3A_613 = arith.constant 1.000000e+00 : f32
    %max3A_614 = vector.broadcast %jit3A_612 : f32 to vector<1024x1xf32>
    %max3A_615 = arith.maximumf %max3A_614, %logistic3A_611 : vector<1024x1xf32>
    %min3A_616 = vector.broadcast %jit3A_613 : f32 to vector<1024x1xf32>
    %min3A_617 = arith.minimumf %min3A_616, %max3A_615 : vector<1024x1xf32>
    %sub3A_618 = arith.constant 1.000000e+00 : f32
    %sub3A_619 = vector.broadcast %sub3A_618 : f32 to vector<1024x1xf32>
    %sub3A_620 = arith.subf %sub3A_619, %min3A_617 : vector<1024x1xf32>
    %log3A_621 = math.log %sub3A_620 : vector<1024x1xf32>
    %neg3A_622 = arith.constant 0.000000e+00 : f32
    %neg3A_623 = vector.broadcast %neg3A_622 : f32 to vector<1024x1xf32>
    %neg3A_624 = arith.subf %neg3A_623, %log3A_621 : vector<1024x1xf32>
    %reduce_sum3A_625 = vector.shape_cast %neg3A_624 : vector<1024x1xf32> to vector<1x1024x1xf32>
    %reduce_sum3A_626 = arith.constant dense<0.000000e+00> : vector<1xf32>
    %reduce_sum3A_627 = vector.multi_reduction <add>, %reduce_sum3A_625, %reduce_sum3A_626 [1, 2] : vector<1x1024x1xf32> to vector<1xf32>
    %reduce_sum3A_628 = vector.shape_cast %reduce_sum3A_627 : vector<1xf32> to vector<1x1x1xf32>
    %reduce_sum3A_629 = vector.extract %reduce_sum3A_628[0, 0, 0] : f32 from vector<1x1x1xf32>
    %add3A_630 = arith.addf %add3A_596, %reduce_sum3A_629 : f32
    %get3A_631 = arith.constant 18 : index
    %get3A_632 = arith.constant 0 : index
    %get3A_633 = arith.constant 0 : index
    %get3A_634 = vector.load %arg3[%get3A_631, %get3A_632, %get3A_633] : memref<20x1024x64xf32, #tpu.memory_space<vmem>>, vector<1x1024x64xf32>
    %get3A_635 = vector.shape_cast %get3A_634 : vector<1x1024x64xf32> to vector<1024x64xf32>
    %mul3A_636 = arith.mulf %get3A_1, %get3A_635 : vector<1024x64xf32>
    %reduce_sum3A_637 = arith.constant dense<0.000000e+00> : vector<1024xf32>
    %reduce_sum3A_638 = vector.multi_reduction <add>, %mul3A_636, %reduce_sum3A_637 [1] : vector<1024x64xf32> to vector<1024xf32>
    %broadcast_in_dim3A_639 = vector.shape_cast %reduce_sum3A_638 : vector<1024xf32> to vector<1024x1xf32>
    %logistic3A_640 = arith.negf %broadcast_in_dim3A_639 : vector<1024x1xf32>
    %logistic3A_641 = math.exp %logistic3A_640 : vector<1024x1xf32>
    %logistic3A_642 = arith.constant 1.000000e+00 : f32
    %logistic3A_643 = vector.broadcast %logistic3A_642 : f32 to vector<1024x1xf32>
    %logistic3A_644 = arith.addf %logistic3A_643, %logistic3A_641 : vector<1024x1xf32>
    %logistic3A_645 = arith.divf %logistic3A_643, %logistic3A_644 : vector<1024x1xf32>
    %jit3A_646 = arith.constant 1.000000e-10 : f32
    %jit3A_647 = arith.constant 1.000000e+00 : f32
    %max3A_648 = vector.broadcast %jit3A_646 : f32 to vector<1024x1xf32>
    %max3A_649 = arith.maximumf %max3A_648, %logistic3A_645 : vector<1024x1xf32>
    %min3A_650 = vector.broadcast %jit3A_647 : f32 to vector<1024x1xf32>
    %min3A_651 = arith.minimumf %min3A_650, %max3A_649 : vector<1024x1xf32>
    %sub3A_652 = arith.constant 1.000000e+00 : f32
    %sub3A_653 = vector.broadcast %sub3A_652 : f32 to vector<1024x1xf32>
    %sub3A_654 = arith.subf %sub3A_653, %min3A_651 : vector<1024x1xf32>
    %log3A_655 = math.log %sub3A_654 : vector<1024x1xf32>
    %neg3A_656 = arith.constant 0.000000e+00 : f32
    %neg3A_657 = vector.broadcast %neg3A_656 : f32 to vector<1024x1xf32>
    %neg3A_658 = arith.subf %neg3A_657, %log3A_655 : vector<1024x1xf32>
    %reduce_sum3A_659 = vector.shape_cast %neg3A_658 : vector<1024x1xf32> to vector<1x1024x1xf32>
    %reduce_sum3A_660 = arith.constant dense<0.000000e+00> : vector<1xf32>
    %reduce_sum3A_661 = vector.multi_reduction <add>, %reduce_sum3A_659, %reduce_sum3A_660 [1, 2] : vector<1x1024x1xf32> to vector<1xf32>
    %reduce_sum3A_662 = vector.shape_cast %reduce_sum3A_661 : vector<1xf32> to vector<1x1x1xf32>
    %reduce_sum3A_663 = vector.extract %reduce_sum3A_662[0, 0, 0] : f32 from vector<1x1x1xf32>
    %add3A_664 = arith.addf %add3A_630, %reduce_sum3A_663 : f32
    %get3A_665 = arith.constant 19 : index
    %get3A_666 = arith.constant 0 : index
    %get3A_667 = arith.constant 0 : index
    %get3A_668 = vector.load %arg3[%get3A_665, %get3A_666, %get3A_667] : memref<20x1024x64xf32, #tpu.memory_space<vmem>>, vector<1x1024x64xf32>
    %get3A_669 = vector.shape_cast %get3A_668 : vector<1x1024x64xf32> to vector<1024x64xf32>
    %mul3A_670 = arith.mulf %get3A_1, %get3A_669 : vector<1024x64xf32>
    %reduce_sum3A_671 = arith.constant dense<0.000000e+00> : vector<1024xf32>
    %reduce_sum3A_672 = vector.multi_reduction <add>, %mul3A_670, %reduce_sum3A_671 [1] : vector<1024x64xf32> to vector<1024xf32>
    %broadcast_in_dim3A_673 = vector.shape_cast %reduce_sum3A_672 : vector<1024xf32> to vector<1024x1xf32>
    %logistic3A_674 = arith.negf %broadcast_in_dim3A_673 : vector<1024x1xf32>
    %logistic3A_675 = math.exp %logistic3A_674 : vector<1024x1xf32>
    %logistic3A_676 = arith.constant 1.000000e+00 : f32
    %logistic3A_677 = vector.broadcast %logistic3A_676 : f32 to vector<1024x1xf32>
    %logistic3A_678 = arith.addf %logistic3A_677, %logistic3A_675 : vector<1024x1xf32>
    %logistic3A_679 = arith.divf %logistic3A_677, %logistic3A_678 : vector<1024x1xf32>
    %jit3A_680 = arith.constant 1.000000e-10 : f32
    %jit3A_681 = arith.constant 1.000000e+00 : f32
    %max3A_682 = vector.broadcast %jit3A_680 : f32 to vector<1024x1xf32>
    %max3A_683 = arith.maximumf %max3A_682, %logistic3A_679 : vector<1024x1xf32>
    %min3A_684 = vector.broadcast %jit3A_681 : f32 to vector<1024x1xf32>
    %min3A_685 = arith.minimumf %min3A_684, %max3A_683 : vector<1024x1xf32>
    %sub3A_686 = arith.constant 1.000000e+00 : f32
    %sub3A_687 = vector.broadcast %sub3A_686 : f32 to vector<1024x1xf32>
    %sub3A_688 = arith.subf %sub3A_687, %min3A_685 : vector<1024x1xf32>
    %log3A_689 = math.log %sub3A_688 : vector<1024x1xf32>
    %neg3A_690 = arith.constant 0.000000e+00 : f32
    %neg3A_691 = vector.broadcast %neg3A_690 : f32 to vector<1024x1xf32>
    %neg3A_692 = arith.subf %neg3A_691, %log3A_689 : vector<1024x1xf32>
    %reduce_sum3A_693 = vector.shape_cast %neg3A_692 : vector<1024x1xf32> to vector<1x1024x1xf32>
    %reduce_sum3A_694 = arith.constant dense<0.000000e+00> : vector<1xf32>
    %reduce_sum3A_695 = vector.multi_reduction <add>, %reduce_sum3A_693, %reduce_sum3A_694 [1, 2] : vector<1x1024x1xf32> to vector<1xf32>
    %reduce_sum3A_696 = vector.shape_cast %reduce_sum3A_695 : vector<1xf32> to vector<1x1x1xf32>
    %reduce_sum3A_697 = vector.extract %reduce_sum3A_696[0, 0, 0] : f32 from vector<1x1x1xf32>
    %add3A_698 = arith.addf %add3A_664, %reduce_sum3A_697 : f32
    %eq3A = arith.constant 0 : i32
    %eq3A_699 = arith.cmpi eq, %arg0, %eq3A : i32
    %convert_element_type3A = arith.extui %eq3A_699 : i1 to i32
    %cond3A = arith.constant 0 : i32
    %cond3A_700 = arith.cmpi ne, %convert_element_type3A, %cond3A : i32
    scf.if %cond3A_700 {
      %swap3A_708 = arith.constant 0.000000e+00 : f32
      %swap3A_709 = arith.constant 0 : index
      %swap3A_710 = arith.constant 0 : index
      %swap3A_711 = memref.load %arg4[%swap3A_709, %swap3A_710] : memref<1x1xf32, #tpu.memory_space<smem>>
      memref.store %swap3A_708, %arg4[%swap3A_709, %swap3A_710] : memref<1x1xf32, #tpu.memory_space<smem>>
    } else {
    }
    %get3A_701 = arith.constant 0 : index
    %get3A_702 = arith.constant 0 : index
    %get3A_703 = memref.load %arg4[%get3A_701, %get3A_702] : memref<1x1xf32, #tpu.memory_space<smem>>
    %div3A = arith.constant 1.638400e+04 : f32
    %div3A_704 = arith.divf %add3A_698, %div3A : f32
    %add3A_705 = arith.addf %get3A_703, %div3A_704 : f32
    %swap3A = arith.constant 0 : index
    %swap3A_706 = arith.constant 0 : index
    %swap3A_707 = memref.load %arg4[%swap3A, %swap3A_706] : memref<1x1xf32, #tpu.memory_space<smem>>
    memref.store %add3A_705, %arg4[%swap3A, %swap3A_706] : memref<1x1xf32, #tpu.memory_space<smem>>
    return
  }
  func.func @transform_0(%arg0: i32) -> (i32, i32) {
    %c0_i32 = arith.constant 0 : i32
    %c0_i32_0 = arith.constant 0 : i32
    return %arg0, %c0_i32 : i32, i32
  }
  func.func @transform_1(%arg0: i32) -> (i32, i32) {
    %c0_i32 = arith.constant 0 : i32
    %c0_i32_0 = arith.constant 0 : i32
    return %arg0, %c0_i32 : i32, i32
  }
  func.func @transform_2(%arg0: i32) -> (i32, i32, i32) {
    %c0_i32 = arith.constant 0 : i32
    %c0_i32_0 = arith.constant 0 : i32
    %c0_i32_1 = arith.constant 0 : i32
    return %c0_i32, %arg0, %c0_i32_0 : i32, i32, i32
  }
  func.func @transform_3(%arg0: i32) -> (i32, i32) {
    %c0_i32 = arith.constant 0 : i32
    %c0_i32_0 = arith.constant 0 : i32
    %c0_i32_1 = arith.constant 0 : i32
    return %c0_i32, %c0_i32_0 : i32, i32
  }
}

</mosaic_0001>

<sc_bundles>
// kernel: kernel.6.cloned.1.call-start
scs
__scs_entry_jumppad:
0x0: {  	(pc) =	sbr.rel $0x88, $3  }
0x1: {  	(tag) =	ssettag $0x0;
	lr =	simm.s32 $0x1  }
0x2: {  	[smem:$0x3F9C] =	sst lr;
	_ =	strace $0xD0000000  }
0x3: {  	_ = 	snop  }
0x4: {  	_ = 	snop  }
0x5: {  	_ = 	snop  }
0x6: {  	_ = 	snop  }
0x7: {  	_ = 	snop  }
__scs_overlays_trampoline_lowered:
0x8: {  	[smem:$0x3FAB] =	sst s0  }
0x9: {  	[smem:$0x3FAC] =	sst s1  }
0xa: {  	[smem:$0x3FAD] =	sst s2  }
0xb: {  	[smem:$0x3FAE] =	sst s3  }
0xc: {  	[smem:$0x3FAF] =	sst s4  }
0xd: {  	[smem:$0x3FB0] =	sst s5  }
0xe: {  	[smem:$0x3FB1] =	sst s6  }
0xf: {  	[smem:$0x3FB2] =	sst s7  }
0x10: {  	[smem:$0x3FB3] =	sst s8  }
0x11: {  	[smem:$0x3FB4] =	sst s9;
	s0 =	simm.s32 @!p0 $0x0  }
0x12: {  	s1 =	sld [smem:$0x3F9A];
	s0 =	simm.s32 @p0 $0x1  }
0x13: {  	[smem:$0x3FB5] =	sst s0;
	s0 =	simm.s32 @!p1 $0x0  }
0x14: {  	s2 =	sld [smem:$0x3F99];
	s0 =	simm.s32 @p1 $0x1  }
0x15: {  	[smem:$0x3FB6] =	sst s0;
	s0 =	simm.s32 @!p2 $0x0  }
0x16: {  	s3 =	sld [smem:$0x3FDB];
	s0 =	simm.s32 @p2 $0x1  }
0x17: {  	s4 =	simm.s32 $0x1BF5;
	[smem:$0x3FB8] =	sst s0  }
0x18: {  	s0 =	sld [smem:$0x3F9B];
	_ =	swait.ge [sflag:s4], $0x0  }
0x19: {  	s7 =	sld [smem:$0x3F9C]  }
0x1a: {  	s8 =	sadd.s32 $0xFFFFE003, lr  }
0x1b: {  	s9 =	sadd.s32 $0xFFFFFEF7, lr;
	s5 =	simm.s32 $0xFFFFFFFF;
	p2 =	slt.u32 s8, $0xFFFFF086  }
0x1c: {  	p1 =	slt.u32 s9, $0xF7A;
	s5 =	simm.s32 @!p2 $0x0  }
0x1d: {  	s5 =	simm.s32 @p1 $0x1;
	p0 =	seq.s32 s7, s2  }
0x1e: {  	s7 =	smul.u32 @!p0 $0xF7A, s2;
	p2 =	seq.s32 @!p0 s5, $0x0  }
0x1f: {  	s9 =	smul.u32 $0xF7A, s1;
	s8 =	simm.s32 @!p0 $0x1BF5;
	p2 =	por !p2, p0  }
0x20: {  	[sflag:s8] =	ssyncset.s32 @!p0 $0xFFFFF086;
	s6 =	sadd.s32 @!p0 s3, s7;
	s7 =	simm.s32 @!p0 $0x108  }
0x21: {  	s3 =	sadd.s32 s3, s9;
	s6 =	sadd.s32 @!p0 $0x88, s6;
	s7 =	simm.s32 @p2 $0x1082  }
0x22: {  	[simem:s7], [sflag:s8] =	dma.local @!p0 [hbm:s6], $0xF7A  }
0x23: {  	s9 =	sor.u32 $0xD0000000, s2;
	s6 =	simm.s32 $0x108;
	_ =	swait.ge @!p0 [sflag:s8], $0x0  }
0x24: {  	s3 =	sadd.s32 $0x88, s3;
	s6 =	simm.s32 @!p1 $0x1082;
	[sflag:s4] =	ssyncset.s32 $0xFFFFF086  }
0x25: {  	[simem:s6], [sflag:s4] =	dma.local [hbm:s3], $0xF7A  }
0x26: {  	[smem:$0x3F9C] =	sst s1;
	(tag) =	ssettag s2;
	_ =	strace s9  }
0x27: {  	s1 =	sld [smem:$0x3FAC]  }
0x28: {  	s2 =	sld [smem:$0x3FAD]  }
0x29: {  	s4 =	sld [smem:$0x3FAF]  }
0x2a: {  	p0 =	seq.s32 s5, $0x0;
	s5 =	sld [smem:$0x3FB0]  }
0x2b: {  	s6 =	sld [smem:$0x3FB1]  }
0x2c: {  	s7 =	sld [smem:$0x3FB2]  }
0x2d: {  	s3 =	simm.s32 $0x108;
	s8 =	sld [smem:$0x3FB3]  }
0x2e: {  	s3 =	simm.s32 @!p0 $0x1082;
	s9 =	sld [smem:$0x3FB4]  }
0x2f: {  	lr =	sadd.s32 s0, s3;
	s0 =	sld [smem:$0x3FAB]  }
0x30: {  	s3 =	sld [smem:$0x3FAE]  }
0x31: {  	[smem:$0x3FB7] =	sst s10  }
0x32: {  	s10 =	sld [smem:$0x3FB5];
	_ =	sdelay $0x3  }
0x33: {  	p0 =	seq.s32 s10, $0x1;
	s10 =	sld [smem:$0x3FB7];
	_ =	sdelay $0x3  }
0x34: {  	[smem:$0x3FB7] =	sst s10  }
0x35: {  	s10 =	sld [smem:$0x3FB6];
	_ =	sdelay $0x3  }
0x36: {  	p1 =	seq.s32 s10, $0x1;
	s10 =	sld [smem:$0x3FB7];
	_ =	sdelay $0x3  }
0x37: {  	[smem:$0x3FB7] =	sst s10  }
0x38: {  	s10 =	sld [smem:$0x3FB8]  }
0x39: {  	_ = 	snop;
	(pc) =	sbr.ind lr, $3  }
0x3a: {  	_ = 	snop  }
0x3b: {  	_ = 	snop  }
0x3c: {  	p2 =	seq.s32 s10, $0x1;
	s10 =	sld [smem:$0x3FB7]  }
0x3d: {  	_ =	shalt  }
0x3e: {  	_ =	shalt  }
0x3f: {  	_ =	shalt  }
0x40: {  	_ =	shalt  }
0x41: {  	_ =	shalt  }
0x42: {  	_ =	shalt  }
0x43: {  	_ =	shalt  }
0x44: {  	_ =	shalt  }
0x45: {  	_ =	shalt  }
0x46: {  	_ =	shalt  }
0x47: {  	_ =	shalt  }
0x48: {  	_ =	shalt  }
0x49: {  	_ =	shalt  }
0x4a: {  	_ =	shalt  }
0x4b: {  	_ =	shalt  }
0x4c: {  	_ =	shalt  }
0x4d: {  	_ =	shalt  }
0x4e: {  	_ =	shalt  }
0x4f: {  	_ =	shalt  }
0x50: {  	_ =	shalt  }
0x51: {  	_ =	shalt  }
0x52: {  	_ =	shalt  }
0x53: {  	_ =	shalt  }
0x54: {  	_ =	shalt  }
0x55: {  	_ =	shalt  }
0x56: {  	_ =	shalt  }
0x57: {  	_ =	shalt  }
0x58: {  	_ =	shalt  }
0x59: {  	_ =	shalt  }
0x5a: {  	_ =	shalt  }
0x5b: {  	_ =	shalt  }
0x5c: {  	_ =	shalt  }
0x5d: {  	_ =	shalt  }
0x5e: {  	_ =	shalt  }
0x5f: {  	_ =	shalt  }
0x60: {  	_ =	shalt  }
0x61: {  	_ =	shalt  }
0x62: {  	_ =	shalt  }
0x63: {  	_ =	shalt  }
0x64: {  	_ =	shalt  }
0x65: {  	_ =	shalt  }
0x66: {  	_ =	shalt  }
0x67: {  	_ =	shalt  }
0x68: {  	_ =	shalt  }
0x69: {  	_ =	shalt  }
0x6a: {  	_ =	shalt  }
0x6b: {  	_ =	shalt  }
0x6c: {  	_ =	shalt  }
0x6d: {  	_ =	shalt  }
0x6e: {  	_ =	shalt  }
0x6f: {  	_ =	shalt  }
0x70: {  	_ =	shalt  }
0x71: {  	_ =	shalt  }
0x72: {  	_ =	shalt  }
0x73: {  	_ =	shalt  }
0x74: {  	_ =	shalt  }
0x75: {  	_ =	shalt  }
0x76: {  	_ =	shalt  }
0x77: {  	_ =	shalt  }
0x78: {  	_ =	shalt  }
0x79: {  	_ =	shalt  }
0x7a: {  	_ =	shalt  }
0x7b: {  	_ =	shalt  }
0x7c: {  	_ =	shalt  }
0x7d: {  	_ =	shalt  }
0x7e: {  	_ =	shalt  }
0x7f: {  	_ =	shalt  }
0x80: {  	_ =	shalt  }
0x81: {  	_ =	shalt  }
0x82: {  	_ =	shalt  }
0x83: {  	_ =	shalt  }
0x84: {  	_ =	shalt  }
0x85: {  	_ =	shalt  }
0x86: {  	_ =	shalt  }
0x87: {  	_ =	shalt  }
.Lfunc_end0:
.L_simem_size_0:
called_computation_lowered:
.L_overlay_start_0:
0x88: {  	s2 =	sld [smem:$0x3FD9]  }
0x89: {  	s3 =	sld [smem:$0x3FFE];
	_ =	sdelay $0x1  }
0x8a: {  	s1 =	srdreg.scid  }
0x8b: {  	s0 =	sand.u32 $0x1, s1  }
0x8c: {  	s17 =	sshll.u32 s0, $0xA;
	s2 =	sadd.s32 s3, s2  }
0x8d: {  	s2 =	sadd.s32 s2, s17  }
0x8e: {  	[smem:$0x3FC3] =	sst s2  }
0x8f: {  	_ = 	snop  }
0x90: {  	(tm) =	ssettm $0x1  }
0x91: {  	s18 =	sld [smem:$0x3FFB];
	_ =	sdelay $0x3  }
0x92: {  	_ =	strace s18  }
0x93: {  	s2 =	sld [smem:$0x3FFC];
	_ =	sdelay $0x3  }
0x94: {  	_ =	strace s2  }
0x95: {  	s2 =	sld [smem:$0x3FFD];
	_ =	sdelay $0x3  }
0x96: {  	_ =	strace s2  }
0x97: {  	_ =	strace $0x8FFFFFFF  }
0x98: {  	s19 =	sld [smem:$0x3FDB];
	_ =	sdelay $0x1  }
0x99: {  	s20 =	simm.s32 $_scs_section_size  }
0x9a: {  	s4 =	simm.s32 $_size__tile_overlayer_lowered;
	s5 =	simm.s32 $_tile_overlayer_lowered  }
0x9b: {  	s6 =	simm.s32 $0x1BFF;
	s21 =	sshll.u32 s5, $0x1;
	s3 =	sadd.s32 s20, s19  }
0x9c: {  	s22 =	simm.s32 $0x0;
	s4 =	sshll.u32 s4, $0x1;
	s5 =	sadd.s32 s21, s3  }
0x9d: {  	[timem:s22], [sflag:s6] =	dma.local [hbm:s5], s4  }
0x9e: {  	_ =	swait.ge [sflag:s6], s4  }
0x9f: {  	s4 =	ssub.s32 $0x0, s4;
	[sflag:s6] =	ssyncset.done $0x0  }
0xa0: {  	[sflag:s6] =	ssyncadd.s32 s4;
	_ =	sdelay $0x1  }
0xa1: {  	s23 =	simm.s32 $0x1B8B  }
0xa2: {  	_ =	swait.ge [sflag:s23], $0x1  }
0xa3: {  	[sflag:s23] =	ssyncset.done $0x0  }
0xa4: {  	[sflag:s23] =	ssyncadd.s32 $0xFFFFFFFF  }
0xa5: {  	s4 =	sld [smem:$0x0]  }
0xa6: {  	s5 =	sand.u32 $0xFFFFFFFE, s1  }
0xa7: {  	p0 =	sne.s32 s1, s5  }
0xa8: {  	s5 =	sshll.u32 @p0 s5, $0xE  }
0xa9: {  	s5 =	sadd.s32 @p0 $0x11B8D, s5;
	s6 =	sshll.u32 @p0 s4, $0x11  }
0xaa: {  	s5 =	sor.u32 @p0 s6, s5  }
0xab: {  	[sflag:s5] =	ssyncadd.remote.s32 @p0 $0x1;
	_ =	sdelay $0x1  }
0xac: {  	s5 =	simm.s32 @p0 $0x1B8D  }
0xad: {  	_ =	swait.eq @p0 [sflag:s5], $0x1  }
0xae: {  	[sflag:s5] =	ssyncadd.s32 @p0 $0xFFFFFFFF  }
0xaf: {  	s6 =	sshll.u32 @!p0 s1, $0xE  }
0xb0: {  	s6 =	sor.u32 @!p0 $0x4000, s6;
	s5 =	simm.s32 @!p0 $0x1B8D  }
0xb1: {  	s4 =	sshll.u32 @!p0 s4, $0x11;
	s6 =	sadd.s32 @!p0 $0x11B8D, s6;
	_ =	swait.eq @!p0 [sflag:s5], $0x1  }
0xb2: {  	s4 =	sor.u32 @!p0 s4, s6;
	[sflag:s5] =	ssyncadd.s32 @!p0 $0xFFFFFFFF  }
0xb3: {  	s25 =	simm.s32 $0x1B8E;
	s24 =	sld [smem:$0x3FFE];
	[sflag:s4] =	ssyncadd.remote.s32 @!p0 $0x1  }
0xb4: {  	s26 =	simm.s32 $execute0_lowered;
	[smem:$0x3FD2] =	sst s25  }
0xb5: {  	s5 =	sshll.u32 s26, $0x1;
	_ =	strace $0x80000049;
	[dreg:$0x1] =	wrdreg $0xFFFFFFFF  }
0xb6: {  	s28 =	simm.s32 $_size_execute0_lowered;
	s3 =	sadd.s32 s3, s5;
	[dreg:$0x0] =	wrdreg $0x0  }
0xb7: {  	s5 =	sshll.u32 s28, $0x1;
	[dreg:$0x2] =	wrdreg s3  }
0xb8: {  	[dreg:$0x3] =	wrdreg s5  }
0xb9: {  	[dreg:$0x4] =	wrdreg $0xC0  }
0xba: {  	_ =	task [dreg:s22], $0x5FFFF  }
0xbb: {  	[dreg:$0x1] =	wrdreg $0xFFFFFFFF  }
0xbc: {  	[dreg:$0x0] =	wrdreg $0x60  }
0xbd: {  	[dreg:$0x2] =	wrdreg s24  }
0xbe: {  	[dreg:$0x3] =	wrdreg $0x9  }
0xbf: {  	_ =	task.clear_ibuf [dreg:s22], $0x4FFFF;
	_ =	strace $0x90000049  }
0xc0: {  	s29 =	simm.s32 $0x9;
	_ =	strace $0x8000004B  }
0xc1: {  	_ =	swait.ge [sflag:s29], $0x1  }
0xc2: {  	[sflag:s29] =	ssyncadd.s32 $0xFFFFFFFF  }
0xc3: {  	_ =	strace $0x9000004B  }
0xc4: {  	_ =	sfence  }
0xc5: {  	s30 =	sld [smem:$0x0];
	_ =	sdelay $0x2  }
0xc6: {  	s31 =	sshll.u32 s1, $0xD;
	s1 =	sshrl.u32 s1, $0x2  }
0xc7: {  	s4 =	sand.u32 $0x4000, s31;
	s1 =	sadd.s32 s1, s30  }
0xc8: {  	s0 =	sor.u32 s4, s0;
	s1 =	sshll.u32 s1, $0x11  }
0xc9: {  	s0 =	sor.u32 s1, s0  }
0xca: {  	s0 =	sadd.s32 $0x8F2B, s0  }
0xcb: {  	[sflag:s0] =	ssyncadd.remote.s32 $0x1  }
0xcc: {  	_ =	sfence.sel $0xFFFF  }
0xcd: {  	[dreg:$0x0] =	wrdreg $0xFFFFFFFF;
	(pc) =	sbr.abs _section_cstart, $3  }
0xce: {  	[dreg:$0x1] =	wrdreg $0xFFFFFFFF  }
0xcf: {  	_ =	task.clear_ibuf [dreg:s22], $0x2FFFF;
	_ =	strace $0x9FFFFFFF  }
0xd0: {  	(tm) =	ssettm $0x7FFFFFFF  }
0xd1: {  	_ =	shalt  }
tec
execute0_lowered:
.L_overlay_start_1:
0x0: {  	(tag) =	ssettag $0x1  }
0x1: {  	s1 =	srdreg.scid;
	s0 =	stileid.u32  }
0x2: {  	s5 =	rddreg [dreg:$0x0];
	s2 =	simm.s32 $0x0;
	s16 =	simm.s32 $0x1600  }
0x3: {  	s17 =	simm.s32 $0x5600;
	s18 =	simm.s32 $0x1;
	s19 =	simm.s32 $0x140  }
0x4: {  	s20 =	simm.s32 $0x9600;
	s21 =	simm.s32 $0xE600;
	s22 =	simm.s32 $0x2  }
0x5: {  	s23 =	simm.s32 $0x0;
	s10 =	sand.u32 $0x1, s1;
	s11 =	smul.u32 $0x2800, s0  }
0x6: {  	s26 =	sshll.u32 s0, $0x1;
	s1 =	rddreg [dreg:$0x1];
	s30 =	smul.u32 $0x14000, s0  }
0x7: {  	[smem:$0x7FF] =	sst s2;
	s14 =	sadd.s32 $0x16E600, s5;
	s13 =	smul.u32 $0x1400, s10  }
0x8: {  	s6 =	sor.u32 s10, s26;
	_ =	strace $0x8000004A;
	s31 =	smul.u32 $0xA000, s10  }
0x9: {  	s9 =	ssub.s32 $0x2, s10;
	s3 =	smul.u32 $0x1400, s6;
	s4 =	sshll.u32 s6, $0x5  }
0xa: {  	s6 =	sshll.u32 s6, $0xB;
	s28 =	sshrl.u32 s9, $0x1;
	s7 =	sadd.s32 s4, s5  }
0xb: {  	s4 =	sadd.s32 $0xF44A00, s5;
	s12 =	sadd.s32 s6, s5;
	s15 =	ssub.s32 s9, s28  }
0xc: {  	s29 =	sadd.s32 s13, s11;
	s13 =	sadd.s32 s30, s14;
	s3 =	sshrl.u32 s3, $0x3  }
0xd: {  	s6 =	sadd.s32 $0xDA00, s7;
	s11 =	sshll.u32 s29, $0x3;
	s9 =	sadd.s32 $0x2AE600, s12  }
0xe: {  	s10 =	smax.u32 s15, $0x1;
	s15 =	simm.s32 $0x200;
	s8 =	sadd.s32 s3, s5  }
0xf: {  	s3 =	sadd.s32 $0x16E5C00, s5;
	s5 =	sadd.s32 $0xE200, s7;
	s11 =	sadd.s32 s11, s14  }
0x10: {  	s14 =	simm.s32 $0x100;
	s7 =	sadd.s32 $0x2600, s8;
	s8 =	sadd.s32 $0x2BE600, s12  }
0x11: {  	s11 =	sadd.s32 $0xA00, s11;
	s12 =	sadd.s32 s31, s13;
	s13 =	simm.s32 $0x3  }
.LBB2_1:
0x12: {  	[tilespmem:s2], [sflag:$0x3] =	stream.linear.gather [hbm4b:s5+s2], $0x100, $0x38;
	[tilespmem:$0x13600] =	vst v63  }
0x13: {  	_ =	swait.ge [sflag:s13], $0x100  }
0x14: {  	[sflag:s13] =	ssyncset.done $0x0  }
0x15: {  	[sflag:s13] =	ssyncadd.s32 $0xFFFFFF00  }
0x16: {  	[tilespmem:s14], [sflag:$0x3] =	stream.linear.gather [hbm4b:s6+s2], $0x100, $0x38;
	[tilespmem:$0x13600] =	vst v63  }
0x17: {  	_ =	swait.ge [sflag:s13], $0x100  }
0x18: {  	[sflag:s13] =	ssyncset.done $0x0  }
0x19: {  	[sflag:s13] =	ssyncadd.s32 $0xFFFFFF00  }
0x1a: {  	[tilespmem:s15], [sflag:$0x3] =	stream.linear.gather [hbm4b:s7+s2], $0x1400, $0x38;
	[tilespmem:$0x13600] =	vst v63  }
0x1b: {  	_ =	swait.ge [sflag:s13], $0x1400  }
0x1c: {  	[sflag:s13] =	ssyncset.done $0x0  }
0x1d: {  	[sflag:s13] =	ssyncadd.s32 $0xFFFFEC00  }
0x1e: {  	[tilespmem:s16], [sflag:$0x1] =	stream.indirect.gather [hbm4b:s3+s14], $0x40, s2, s14, $0xb8;
	[tilespmem:$0x13600] =	vst v63  }
0x1f: {  	_ = 	snop  }
0x20: {  	[tilespmem:s17], [sflag:$0x1] =	stream.indirect.gather [hbm4b:s4+s14], $0x40, s14, s14, $0xb8;
	[tilespmem:$0x13600] =	vst v63  }
0x21: {  	_ =	swait.ge [sflag:s18], $0x4000  }
0x22: {  	[sflag:s18] =	ssyncset.done $0x0  }
0x23: {  	[sflag:s18] =	ssyncadd.s32 $0xFFFFC000  }
0x24: {  	[hbm4b:s8+s2] =	stream.linear.scatter [tilespmem:s16], [sflag:$0x3], $0x4000, $0x38;
	[tilespmem:$0x13600] =	vst v63  }
0x25: {  	_ =	swait.ge [sflag:s13], $0x4000  }
0x26: {  	[sflag:s13] =	ssyncset.done $0x0  }
0x27: {  	[sflag:s13] =	ssyncadd.s32 $0xFFFFC000  }
0x28: {  	_ =	swait.ge [sflag:s18], $0x4000  }
0x29: {  	[sflag:s18] =	ssyncset.done $0x0  }
0x2a: {  	[sflag:s18] =	ssyncadd.s32 $0xFFFFC000  }
0x2b: {  	[hbm4b:s9+s2] =	stream.linear.scatter [tilespmem:s17], [sflag:$0x3], $0x4000, $0x38;
	[tilespmem:$0x13600] =	vst v63  }
0x2c: {  	_ =	swait.ge [sflag:s13], $0x4000  }
0x2d: {  	[sflag:s13] =	ssyncset.done $0x0  }
0x2e: {  	s24 =	simm.s32 $0x200;
	[sflag:s13] =	ssyncadd.s32 $0xFFFFC000  }
0x2f: {  	[tilespmem:s20], [sflag:$0x1] =	stream.indirect.gather [hbm4b:s4+s19], $0x40, s24, s19, $0xb8;
	[tilespmem:$0x13600] =	vst v63  }
0x30: {  	s29 =	simm.s32 $0x340  }
0x31: {  	[tilespmem:s21], [sflag:$0x1] =	stream.indirect.gather [hbm4b:s4+s19], $0x40, s29, s19, $0xb8;
	[tilespmem:$0x13600] =	vst v63  }
0x32: {  	_ =	swait.ge [sflag:s18], $0x5000  }
0x33: {  	[sflag:s18] =	ssyncset.done $0x0  }
0x34: {  	s30 =	sadd.s32 $0x0, s12;
	[sflag:s18] =	ssyncadd.s32 $0xFFFFB000  }
0x35: {  	[hbm4b:s30+s2] =	stream.linear.scatter [tilespmem:s20], [sflag:$0x2], $0x5000, $0x38;
	[tilespmem:$0x13600] =	vst v63  }
0x36: {  	_ =	swait.ge [sflag:s18], $0x5000  }
0x37: {  	[sflag:s18] =	ssyncset.done $0x0  }
0x38: {  	s31 =	sadd.s32 $0x0, s11;
	[sflag:s18] =	ssyncadd.s32 $0xFFFFB000  }
0x39: {  	[hbm4b:s31+s2] =	stream.linear.scatter [tilespmem:s21], [sflag:$0x2], $0x5000, $0x38;
	[tilespmem:$0x13600] =	vst v63  }
0x3a: {  	_ =	swait.ge [sflag:s22], $0x5000  }
0x3b: {  	[sflag:s22] =	ssyncset.done $0x0  }
0x3c: {  	[sflag:s22] =	ssyncadd.s32 $0xFFFFB000  }
0x3d: {  	s26 =	simm.s32 $0x2800;
	_ =	swait.ge [sflag:s22], $0x5000  }
0x3e: {  	s25 =	simm.s32 $0x5C0;
	s24 =	simm.s32 $0x1400;
	[sflag:s22] =	ssyncset.done $0x0  }
.LBB2_2:
0x3f: {  	p0 =	sne.s32 s26, $0x8C00;
	s28 =	sadd.s32 $0xFFFFFEC0, s25;
	[sflag:s22] =	ssyncadd.s32 $0xFFFFB000  }
0x40: {  	[tilespmem:s20], [sflag:$0x1] =	stream.indirect.gather [hbm4b:s4+s19], $0x40, s28, s19, $0xb8;
	[tilespmem:$0x13600] =	vst v63  }
0x41: {  	s28 =	smov.u32 s26;
	s26 =	sadd.s32 $0x1400, s26  }
0x42: {  	[tilespmem:s21], [sflag:$0x1] =	stream.indirect.gather [hbm4b:s4+s19], $0x40, s25, s19, $0xb8;
	[tilespmem:$0x13600] =	vst v63  }
0x43: {  	_ =	swait.ge [sflag:s18], $0x5000  }
0x44: {  	[sflag:s18] =	ssyncset.done $0x0  }
0x45: {  	s29 =	sadd.s32 s24, s12;
	[sflag:s18] =	ssyncadd.s32 $0xFFFFB000  }
0x46: {  	[hbm4b:s29+s2] =	stream.linear.scatter [tilespmem:s20], [sflag:$0x2], $0x5000, $0x38;
	[tilespmem:$0x13600] =	vst v63  }
0x47: {  	_ =	swait.ge [sflag:s18], $0x5000  }
0x48: {  	[sflag:s18] =	ssyncset.done $0x0  }
0x49: {  	s29 =	sadd.s32 s24, s11;
	s24 =	smov.u32 s28;
	[sflag:s18] =	ssyncadd.s32 $0xFFFFB000  }
0x4a: {  	[hbm4b:s29+s2] =	stream.linear.scatter [tilespmem:s21], [sflag:$0x2], $0x5000, $0x38;
	[tilespmem:$0x13600] =	vst v63  }
.Ltmp0:
0x4b: {  	_ =	swait.ge [sflag:s22], $0x5000;
	(pc) =	sbr.rel @p0 .LBB2_2-.Ltmp0, $4  }
0x4c: {  	[sflag:s22] =	ssyncset.done $0x0  }
0x4d: {  	[sflag:s22] =	ssyncadd.s32 $0xFFFFB000  }
0x4e: {  	_ =	swait.ge [sflag:s22], $0x5000  }
0x4f: {  	s25 =	sadd.s32 $0x280, s25;
	[sflag:s22] =	ssyncset.done $0x0  }
0x50: {  	s26 =	sadd.s32 $0xFFFFFEC0, s25;
	[sflag:s22] =	ssyncadd.s32 $0xFFFFB000  }
0x51: {  	[tilespmem:s20], [sflag:$0x1] =	stream.indirect.gather [hbm4b:s4+s19], $0x40, s26, s19, $0xb8;
	[tilespmem:$0x13600] =	vst v63  }
0x52: {  	_ = 	snop  }
0x53: {  	[tilespmem:s21], [sflag:$0x1] =	stream.indirect.gather [hbm4b:s4+s19], $0x40, s25, s19, $0xb8;
	[tilespmem:$0x13600] =	vst v63  }
0x54: {  	_ =	swait.ge [sflag:s18], $0x5000  }
0x55: {  	[sflag:s18] =	ssyncset.done $0x0  }
0x56: {  	s30 =	sadd.s32 s24, s12;
	[sflag:s18] =	ssyncadd.s32 $0xFFFFB000  }
0x57: {  	[hbm4b:s30+s2] =	stream.linear.scatter [tilespmem:s20], [sflag:$0x2], $0x5000, $0x38;
	[tilespmem:$0x13600] =	vst v63  }
0x58: {  	_ =	swait.ge [sflag:s18], $0x5000  }
0x59: {  	[sflag:s18] =	ssyncset.done $0x0  }
0x5a: {  	s31 =	sadd.s32 s24, s11;
	s23 =	sadd.s32 $0x1, s23;
	[sflag:s18] =	ssyncadd.s32 $0xFFFFB000  }
0x5b: {  	[hbm4b:s31+s2] =	stream.linear.scatter [tilespmem:s21], [sflag:$0x2], $0x5000, $0x38;
	[tilespmem:$0x13600] =	vst v63  }
0x5c: {  	p0 =	sne.s32 s23, s10;
	_ =	swait.ge [sflag:s22], $0x5000  }
.Ltmp1:
0x5d: {  	[sflag:s22] =	ssyncset.done $0x0;
	(pc) =	sbr.rel @p0 .LBB2_1-.Ltmp1, $4  }
0x5e: {  	[sflag:s22] =	ssyncadd.s32 $0xFFFFB000  }
0x5f: {  	_ =	swait.ge [sflag:s22], $0x5000  }
0x60: {  	[sflag:s22] =	ssyncset.done $0x0  }
0x61: {  	[sflag:s22] =	ssyncadd.s32 $0xFFFFB000  }
0x62: {  	_ =	sfence.sel $0x180000  }
0x63: {  	[bflag:$0x0] =	sbarrier.arrive $0xFFFF  }
0x64: {  	p0 =	sne.s32 s0, $0x0;
	_ =	strace $0x9000004A  }
0x65: {  	s0 =	sadd.s32 @!p0 $0x100000, s1;
	[bflag:$0x2] =	sbarrier.arrive $0xFFFF  }
0x66: {  	[sflag:s0] =	ssyncadd.tile.s32 @!p0 $0x1;
	_ =	shalt  }
.Lfunc_end2:
_tile_overlayer_lowered:
.L_overlay_start_2:
0x67: {  	(tag) =	ssettag $0x2  }
0x68: {  	s0 =	rddreg [dreg:$0x0];
	s2 =	stileid.u32  }
0x69: {  	s1 =	rddreg [dreg:$0x1];
	p0 =	sne.s32 s2, $0x0  }
0x6a: {  	s3 =	rddreg [dreg:$0x2];
	[bflag:$0x3] =	sbarrier.arrive $0xFFFF;
	s2 =	simm.s32 @!p0 $0x1C03  }
0x6b: {  	[timem:s3], [sflag:s2] =	dma.local @!p0 [hbm:s0], s1  }
0x6c: {  	s0 =	simm.s32 @!p0 $0x3  }
0x6d: {  	_ =	swait.ge @!p0 [sflag:s0], s1  }
0x6e: {  	s1 =	ssub.s32 @!p0 $0x0, s1;
	[sflag:s0] =	ssyncset.done @!p0 $0x0  }
0x6f: {  	[sflag:s0] =	ssyncadd.s32 @!p0 s1  }
0x70: {  	[bflag:$0x3] =	sbarrier.arrive $0xFFFF  }
0x71: {  	_ =	shalt  }

// kernel: kernel.9.cloned.1.call-start
scs
__scs_entry_jumppad:
0x0: {  	(pc) =	sbr.rel $0x88, $3  }
0x1: {  	(tag) =	ssettag $0x0;
	lr =	simm.s32 $0x1  }
0x2: {  	[smem:$0x3F9C] =	sst lr;
	_ =	strace $0xD0000000  }
0x3: {  	_ = 	snop  }
0x4: {  	_ = 	snop  }
0x5: {  	_ = 	snop  }
0x6: {  	_ = 	snop  }
0x7: {  	_ = 	snop  }
__scs_overlays_trampoline_lowered:
0x8: {  	[smem:$0x3FAB] =	sst s0  }
0x9: {  	[smem:$0x3FAC] =	sst s1  }
0xa: {  	[smem:$0x3FAD] =	sst s2  }
0xb: {  	[smem:$0x3FAE] =	sst s3  }
0xc: {  	[smem:$0x3FAF] =	sst s4  }
0xd: {  	[smem:$0x3FB0] =	sst s5  }
0xe: {  	[smem:$0x3FB1] =	sst s6  }
0xf: {  	[smem:$0x3FB2] =	sst s7  }
0x10: {  	[smem:$0x3FB3] =	sst s8  }
0x11: {  	[smem:$0x3FB4] =	sst s9;
	s0 =	simm.s32 @!p0 $0x0  }
0x12: {  	s1 =	sld [smem:$0x3F9A];
	s0 =	simm.s32 @p0 $0x1  }
0x13: {  	[smem:$0x3FB5] =	sst s0;
	s0 =	simm.s32 @!p1 $0x0  }
0x14: {  	s2 =	sld [smem:$0x3F99];
	s0 =	simm.s32 @p1 $0x1  }
0x15: {  	[smem:$0x3FB6] =	sst s0;
	s0 =	simm.s32 @!p2 $0x0  }
0x16: {  	s3 =	sld [smem:$0x3FDB];
	s0 =	simm.s32 @p2 $0x1  }
0x17: {  	s4 =	simm.s32 $0x1BF5;
	[smem:$0x3FB8] =	sst s0  }
0x18: {  	s0 =	sld [smem:$0x3F9B];
	_ =	swait.ge [sflag:s4], $0x0  }
0x19: {  	s7 =	sld [smem:$0x3F9C]  }
0x1a: {  	s8 =	sadd.s32 $0xFFFFE003, lr  }
0x1b: {  	s9 =	sadd.s32 $0xFFFFFEF7, lr;
	s5 =	simm.s32 $0xFFFFFFFF;
	p2 =	slt.u32 s8, $0xFFFFF086  }
0x1c: {  	p1 =	slt.u32 s9, $0xF7A;
	s5 =	simm.s32 @!p2 $0x0  }
0x1d: {  	s5 =	simm.s32 @p1 $0x1;
	p0 =	seq.s32 s7, s2  }
0x1e: {  	s7 =	smul.u32 @!p0 $0xF7A, s2;
	p2 =	seq.s32 @!p0 s5, $0x0  }
0x1f: {  	s9 =	smul.u32 $0xF7A, s1;
	s8 =	simm.s32 @!p0 $0x1BF5;
	p2 =	por !p2, p0  }
0x20: {  	[sflag:s8] =	ssyncset.s32 @!p0 $0xFFFFF086;
	s6 =	sadd.s32 @!p0 s3, s7;
	s7 =	simm.s32 @!p0 $0x108  }
0x21: {  	s3 =	sadd.s32 s3, s9;
	s6 =	sadd.s32 @!p0 $0x88, s6;
	s7 =	simm.s32 @p2 $0x1082  }
0x22: {  	[simem:s7], [sflag:s8] =	dma.local @!p0 [hbm:s6], $0xF7A  }
0x23: {  	s9 =	sor.u32 $0xD0000000, s2;
	s6 =	simm.s32 $0x108;
	_ =	swait.ge @!p0 [sflag:s8], $0x0  }
0x24: {  	s3 =	sadd.s32 $0x88, s3;
	s6 =	simm.s32 @!p1 $0x1082;
	[sflag:s4] =	ssyncset.s32 $0xFFFFF086  }
0x25: {  	[simem:s6], [sflag:s4] =	dma.local [hbm:s3], $0xF7A  }
0x26: {  	[smem:$0x3F9C] =	sst s1;
	(tag) =	ssettag s2;
	_ =	strace s9  }
0x27: {  	s1 =	sld [smem:$0x3FAC]  }
0x28: {  	s2 =	sld [smem:$0x3FAD]  }
0x29: {  	s4 =	sld [smem:$0x3FAF]  }
0x2a: {  	p0 =	seq.s32 s5, $0x0;
	s5 =	sld [smem:$0x3FB0]  }
0x2b: {  	s6 =	sld [smem:$0x3FB1]  }
0x2c: {  	s7 =	sld [smem:$0x3FB2]  }
0x2d: {  	s3 =	simm.s32 $0x108;
	s8 =	sld [smem:$0x3FB3]  }
0x2e: {  	s3 =	simm.s32 @!p0 $0x1082;
	s9 =	sld [smem:$0x3FB4]  }
0x2f: {  	lr =	sadd.s32 s0, s3;
	s0 =	sld [smem:$0x3FAB]  }
0x30: {  	s3 =	sld [smem:$0x3FAE]  }
0x31: {  	[smem:$0x3FB7] =	sst s10  }
0x32: {  	s10 =	sld [smem:$0x3FB5];
	_ =	sdelay $0x3  }
0x33: {  	p0 =	seq.s32 s10, $0x1;
	s10 =	sld [smem:$0x3FB7];
	_ =	sdelay $0x3  }
0x34: {  	[smem:$0x3FB7] =	sst s10  }
0x35: {  	s10 =	sld [smem:$0x3FB6];
	_ =	sdelay $0x3  }
0x36: {  	p1 =	seq.s32 s10, $0x1;
	s10 =	sld [smem:$0x3FB7];
	_ =	sdelay $0x3  }
0x37: {  	[smem:$0x3FB7] =	sst s10  }
0x38: {  	s10 =	sld [smem:$0x3FB8]  }
0x39: {  	_ = 	snop;
	(pc) =	sbr.ind lr, $3  }
0x3a: {  	_ = 	snop  }
0x3b: {  	_ = 	snop  }
0x3c: {  	p2 =	seq.s32 s10, $0x1;
	s10 =	sld [smem:$0x3FB7]  }
0x3d: {  	_ =	shalt  }
0x3e: {  	_ =	shalt  }
0x3f: {  	_ =	shalt  }
0x40: {  	_ =	shalt  }
0x41: {  	_ =	shalt  }
0x42: {  	_ =	shalt  }
0x43: {  	_ =	shalt  }
0x44: {  	_ =	shalt  }
0x45: {  	_ =	shalt  }
0x46: {  	_ =	shalt  }
0x47: {  	_ =	shalt  }
0x48: {  	_ =	shalt  }
0x49: {  	_ =	shalt  }
0x4a: {  	_ =	shalt  }
0x4b: {  	_ =	shalt  }
0x4c: {  	_ =	shalt  }
0x4d: {  	_ =	shalt  }
0x4e: {  	_ =	shalt  }
0x4f: {  	_ =	shalt  }
0x50: {  	_ =	shalt  }
0x51: {  	_ =	shalt  }
0x52: {  	_ =	shalt  }
0x53: {  	_ =	shalt  }
0x54: {  	_ =	shalt  }
0x55: {  	_ =	shalt  }
0x56: {  	_ =	shalt  }
0x57: {  	_ =	shalt  }
0x58: {  	_ =	shalt  }
0x59: {  	_ =	shalt  }
0x5a: {  	_ =	shalt  }
0x5b: {  	_ =	shalt  }
0x5c: {  	_ =	shalt  }
0x5d: {  	_ =	shalt  }
0x5e: {  	_ =	shalt  }
0x5f: {  	_ =	shalt  }
0x60: {  	_ =	shalt  }
0x61: {  	_ =	shalt  }
0x62: {  	_ =	shalt  }
0x63: {  	_ =	shalt  }
0x64: {  	_ =	shalt  }
0x65: {  	_ =	shalt  }
0x66: {  	_ =	shalt  }
0x67: {  	_ =	shalt  }
0x68: {  	_ =	shalt  }
0x69: {  	_ =	shalt  }
0x6a: {  	_ =	shalt  }
0x6b: {  	_ =	shalt  }
0x6c: {  	_ =	shalt  }
0x6d: {  	_ =	shalt  }
0x6e: {  	_ =	shalt  }
0x6f: {  	_ =	shalt  }
0x70: {  	_ =	shalt  }
0x71: {  	_ =	shalt  }
0x72: {  	_ =	shalt  }
0x73: {  	_ =	shalt  }
0x74: {  	_ =	shalt  }
0x75: {  	_ =	shalt  }
0x76: {  	_ =	shalt  }
0x77: {  	_ =	shalt  }
0x78: {  	_ =	shalt  }
0x79: {  	_ =	shalt  }
0x7a: {  	_ =	shalt  }
0x7b: {  	_ =	shalt  }
0x7c: {  	_ =	shalt  }
0x7d: {  	_ =	shalt  }
0x7e: {  	_ =	shalt  }
0x7f: {  	_ =	shalt  }
0x80: {  	_ =	shalt  }
0x81: {  	_ =	shalt  }
0x82: {  	_ =	shalt  }
0x83: {  	_ =	shalt  }
0x84: {  	_ =	shalt  }
0x85: {  	_ =	shalt  }
0x86: {  	_ =	shalt  }
0x87: {  	_ =	shalt  }
.Lfunc_end0:
.L_simem_size_0:
called_computation.1_lowered:
.L_overlay_start_0:
0x88: {  	s2 =	sld [smem:$0x3FD9]  }
0x89: {  	s3 =	sld [smem:$0x3FFE];
	_ =	sdelay $0x1  }
0x8a: {  	s1 =	srdreg.scid  }
0x8b: {  	s0 =	sand.u32 $0x1, s1  }
0x8c: {  	s16 =	sshll.u32 s0, $0xA;
	s2 =	sadd.s32 s3, s2  }
0x8d: {  	s2 =	sadd.s32 s2, s16  }
0x8e: {  	[smem:$0x3FC3] =	sst s2  }
0x8f: {  	_ = 	snop  }
0x90: {  	(tm) =	ssettm $0x1  }
0x91: {  	s17 =	sld [smem:$0x3FFB];
	_ =	sdelay $0x3  }
0x92: {  	_ =	strace s17  }
0x93: {  	s2 =	sld [smem:$0x3FFC];
	_ =	sdelay $0x3  }
0x94: {  	_ =	strace s2  }
0x95: {  	s2 =	sld [smem:$0x3FFD];
	_ =	sdelay $0x3  }
0x96: {  	_ =	strace s2  }
0x97: {  	_ =	strace $0x8FFFFFFF  }
0x98: {  	s18 =	sld [smem:$0x3FDB];
	_ =	sdelay $0x1  }
0x99: {  	s19 =	simm.s32 $_scs_section_size  }
0x9a: {  	s4 =	simm.s32 $_size__tile_overlayer_lowered;
	s5 =	simm.s32 $_tile_overlayer_lowered  }
0x9b: {  	s22 =	simm.s32 $0x1BFF;
	s21 =	sshll.u32 s5, $0x1;
	s2 =	sadd.s32 s19, s18  }
0x9c: {  	s6 =	simm.s32 $0x0;
	s20 =	sshll.u32 s4, $0x1;
	s4 =	sadd.s32 s21, s2  }
0x9d: {  	[timem:s6], [sflag:s22] =	dma.local [hbm:s4], s20  }
0x9e: {  	_ =	swait.ge [sflag:s22], s20  }
0x9f: {  	s3 =	ssub.s32 $0x0, s20;
	[sflag:s22] =	ssyncset.done $0x0  }
0xa0: {  	[sflag:s22] =	ssyncadd.s32 s3;
	_ =	sdelay $0x1  }
0xa1: {  	s23 =	simm.s32 $0x1B8B  }
0xa2: {  	_ =	swait.ge [sflag:s23], $0x1  }
0xa3: {  	[sflag:s23] =	ssyncset.done $0x0  }
0xa4: {  	s25 =	simm.s32 $0x1B8E;
	s24 =	sld [smem:$0x3FFE];
	[sflag:s23] =	ssyncadd.s32 $0xFFFFFFFF  }
0xa5: {  	s26 =	simm.s32 $execute0_lowered;
	[smem:$0x3FD2] =	sst s25  }
0xa6: {  	s4 =	sshll.u32 s26, $0x1;
	_ =	strace $0x80000046;
	[dreg:$0x1] =	wrdreg $0xFFFFFFFF  }
0xa7: {  	s28 =	simm.s32 $_size_execute0_lowered;
	s2 =	sadd.s32 s2, s4;
	[dreg:$0x0] =	wrdreg $0x0  }
0xa8: {  	s4 =	sshll.u32 s28, $0x1;
	[dreg:$0x2] =	wrdreg s2  }
0xa9: {  	[dreg:$0x3] =	wrdreg s4  }
0xaa: {  	[dreg:$0x4] =	wrdreg $0xC0  }
0xab: {  	_ =	task [dreg:s6], $0x5FFFF  }
0xac: {  	[dreg:$0x1] =	wrdreg $0xFFFFFFFF  }
0xad: {  	[dreg:$0x0] =	wrdreg $0x60  }
0xae: {  	[dreg:$0x2] =	wrdreg s24  }
0xaf: {  	[dreg:$0x3] =	wrdreg $0xA  }
0xb0: {  	_ =	task.clear_ibuf [dreg:s6], $0x4FFFF;
	_ =	strace $0x90000046  }
0xb1: {  	s29 =	simm.s32 $0xA;
	_ =	strace $0x80000048  }
0xb2: {  	_ =	swait.ge [sflag:s29], $0x1  }
0xb3: {  	[sflag:s29] =	ssyncadd.s32 $0xFFFFFFFF  }
0xb4: {  	_ =	strace $0x90000048  }
0xb5: {  	_ =	sfence  }
0xb6: {  	s30 =	sld [smem:$0x0];
	_ =	sdelay $0x2  }
0xb7: {  	s31 =	sshll.u32 s1, $0xD;
	s1 =	sshrl.u32 s1, $0x2  }
0xb8: {  	s3 =	sand.u32 $0x4000, s31;
	s1 =	sadd.s32 s1, s30  }
0xb9: {  	s0 =	sor.u32 s3, s0;
	s1 =	sshll.u32 s1, $0x11  }
0xba: {  	s0 =	sor.u32 s1, s0  }
0xbb: {  	s0 =	sadd.s32 $0x8F2B, s0  }
0xbc: {  	[sflag:s0] =	ssyncadd.remote.s32 $0x1  }
0xbd: {  	_ =	sfence.sel $0xFFFF  }
0xbe: {  	[dreg:$0x0] =	wrdreg $0xFFFFFFFF;
	(pc) =	sbr.abs _section_cstart, $3  }
0xbf: {  	[dreg:$0x1] =	wrdreg $0xFFFFFFFF  }
0xc0: {  	_ =	task.clear_ibuf [dreg:s6], $0x2FFFF;
	_ =	strace $0x9FFFFFFF  }
0xc1: {  	(tm) =	ssettm $0x7FFFFFFF  }
tec
execute0_lowered:
.L_overlay_start_1:
0x0: {  	(tag) =	ssettag $0x1  }
0x1: {  	s1 =	srdreg.scid;
	s0 =	stileid.u32  }
0x2: {  	s5 =	rddreg [dreg:$0x0];
	s2 =	simm.s32 $0x0;
	s16 =	simm.s32 $0x1600  }
0x3: {  	s17 =	simm.s32 $0x5600;
	s18 =	simm.s32 $0x1;
	s19 =	simm.s32 $0x140  }
0x4: {  	s20 =	simm.s32 $0x9600;
	s21 =	simm.s32 $0xE600;
	s22 =	simm.s32 $0x2  }
0x5: {  	s23 =	simm.s32 $0x0;
	s10 =	sand.u32 $0x1, s1;
	s11 =	smul.u32 $0x2800, s0  }
0x6: {  	s26 =	sshll.u32 s0, $0x1;
	s1 =	rddreg [dreg:$0x1];
	s30 =	smul.u32 $0x14000, s0  }
0x7: {  	[smem:$0x7FF] =	sst s2;
	s14 =	sadd.s32 $0xE600, s5;
	s13 =	smul.u32 $0x1400, s10  }
0x8: {  	s6 =	sor.u32 s10, s26;
	_ =	strace $0x80000047;
	s31 =	smul.u32 $0xA000, s10  }
0x9: {  	s9 =	ssub.s32 $0x2, s10;
	s3 =	smul.u32 $0x1400, s6;
	s4 =	sshll.u32 s6, $0x5  }
0xa: {  	s6 =	sshll.u32 s6, $0xB;
	s28 =	sshrl.u32 s9, $0x1;
	s7 =	sadd.s32 s4, s5  }
0xb: {  	s4 =	sadd.s32 $0xF44A00, s5;
	s12 =	sadd.s32 s6, s5;
	s15 =	ssub.s32 s9, s28  }
0xc: {  	s29 =	sadd.s32 s13, s11;
	s13 =	sadd.s32 s30, s14;
	s3 =	sshrl.u32 s3, $0x3  }
0xd: {  	s6 =	sadd.s32 $0xD600, s7;
	s11 =	sshll.u32 s29, $0x3;
	s9 =	sadd.s32 $0x14E600, s12  }
0xe: {  	s10 =	smax.u32 s15, $0x1;
	s15 =	simm.s32 $0x200;
	s8 =	sadd.s32 s3, s5  }
0xf: {  	s3 =	sadd.s32 $0x16E5C00, s5;
	s5 =	sadd.s32 $0xDE00, s7;
	s11 =	sadd.s32 s11, s14  }
0x10: {  	s14 =	simm.s32 $0x100;
	s7 =	sadd.s32 $0x8600, s8;
	s8 =	sadd.s32 $0x15E600, s12  }
0x11: {  	s11 =	sadd.s32 $0xA00, s11;
	s12 =	sadd.s32 s31, s13;
	s13 =	simm.s32 $0x3  }
.LBB2_1:
0x12: {  	[tilespmem:s2], [sflag:$0x3] =	stream.linear.gather [hbm4b:s5+s2], $0x100, $0x38;
	[tilespmem:$0x13600] =	vst v63  }
0x13: {  	_ =	swait.ge [sflag:s13], $0x100  }
0x14: {  	[sflag:s13] =	ssyncset.done $0x0  }
0x15: {  	[sflag:s13] =	ssyncadd.s32 $0xFFFFFF00  }
0x16: {  	[tilespmem:s14], [sflag:$0x3] =	stream.linear.gather [hbm4b:s6+s2], $0x100, $0x38;
	[tilespmem:$0x13600] =	vst v63  }
0x17: {  	_ =	swait.ge [sflag:s13], $0x100  }
0x18: {  	[sflag:s13] =	ssyncset.done $0x0  }
0x19: {  	[sflag:s13] =	ssyncadd.s32 $0xFFFFFF00  }
0x1a: {  	[tilespmem:s15], [sflag:$0x3] =	stream.linear.gather [hbm4b:s7+s2], $0x1400, $0x38;
	[tilespmem:$0x13600] =	vst v63  }
0x1b: {  	_ =	swait.ge [sflag:s13], $0x1400  }
0x1c: {  	[sflag:s13] =	ssyncset.done $0x0  }
0x1d: {  	[sflag:s13] =	ssyncadd.s32 $0xFFFFEC00  }
0x1e: {  	[tilespmem:s16], [sflag:$0x1] =	stream.indirect.gather [hbm4b:s3+s14], $0x40, s2, s14, $0xb8;
	[tilespmem:$0x13600] =	vst v63  }
0x1f: {  	_ = 	snop  }
0x20: {  	[tilespmem:s17], [sflag:$0x1] =	stream.indirect.gather [hbm4b:s4+s14], $0x40, s14, s14, $0xb8;
	[tilespmem:$0x13600] =	vst v63  }
0x21: {  	_ =	swait.ge [sflag:s18], $0x4000  }
0x22: {  	[sflag:s18] =	ssyncset.done $0x0  }
0x23: {  	[sflag:s18] =	ssyncadd.s32 $0xFFFFC000  }
0x24: {  	[hbm4b:s8+s2] =	stream.linear.scatter [tilespmem:s16], [sflag:$0x3], $0x4000, $0x38;
	[tilespmem:$0x13600] =	vst v63  }
0x25: {  	_ =	swait.ge [sflag:s13], $0x4000  }
0x26: {  	[sflag:s13] =	ssyncset.done $0x0  }
0x27: {  	[sflag:s13] =	ssyncadd.s32 $0xFFFFC000  }
0x28: {  	_ =	swait.ge [sflag:s18], $0x4000  }
0x29: {  	[sflag:s18] =	ssyncset.done $0x0  }
0x2a: {  	[sflag:s18] =	ssyncadd.s32 $0xFFFFC000  }
0x2b: {  	[hbm4b:s9+s2] =	stream.linear.scatter [tilespmem:s17], [sflag:$0x3], $0x4000, $0x38;
	[tilespmem:$0x13600] =	vst v63  }
0x2c: {  	_ =	swait.ge [sflag:s13], $0x4000  }
0x2d: {  	[sflag:s13] =	ssyncset.done $0x0  }
0x2e: {  	s24 =	simm.s32 $0x200;
	[sflag:s13] =	ssyncadd.s32 $0xFFFFC000  }
0x2f: {  	[tilespmem:s20], [sflag:$0x1] =	stream.indirect.gather [hbm4b:s4+s19], $0x40, s24, s19, $0xb8;
	[tilespmem:$0x13600] =	vst v63  }
0x30: {  	s29 =	simm.s32 $0x340  }
0x31: {  	[tilespmem:s21], [sflag:$0x1] =	stream.indirect.gather [hbm4b:s4+s19], $0x40, s29, s19, $0xb8;
	[tilespmem:$0x13600] =	vst v63  }
0x32: {  	_ =	swait.ge [sflag:s18], $0x5000  }
0x33: {  	[sflag:s18] =	ssyncset.done $0x0  }
0x34: {  	s30 =	sadd.s32 $0x0, s12;
	[sflag:s18] =	ssyncadd.s32 $0xFFFFB000  }
0x35: {  	[hbm4b:s30+s2] =	stream.linear.scatter [tilespmem:s20], [sflag:$0x2], $0x5000, $0x38;
	[tilespmem:$0x13600] =	vst v63  }
0x36: {  	_ =	swait.ge [sflag:s18], $0x5000  }
0x37: {  	[sflag:s18] =	ssyncset.done $0x0  }
0x38: {  	s31 =	sadd.s32 $0x0, s11;
	[sflag:s18] =	ssyncadd.s32 $0xFFFFB000  }
0x39: {  	[hbm4b:s31+s2] =	stream.linear.scatter [tilespmem:s21], [sflag:$0x2], $0x5000, $0x38;
	[tilespmem:$0x13600] =	vst v63  }
0x3a: {  	_ =	swait.ge [sflag:s22], $0x5000  }
0x3b: {  	[sflag:s22] =	ssyncset.done $0x0  }
0x3c: {  	[sflag:s22] =	ssyncadd.s32 $0xFFFFB000  }
0x3d: {  	s26 =	simm.s32 $0x2800;
	_ =	swait.ge [sflag:s22], $0x5000  }
0x3e: {  	s25 =	simm.s32 $0x5C0;
	s24 =	simm.s32 $0x1400;
	[sflag:s22] =	ssyncset.done $0x0  }
.LBB2_2:
0x3f: {  	p0 =	sne.s32 s26, $0x8C00;
	s28 =	sadd.s32 $0xFFFFFEC0, s25;
	[sflag:s22] =	ssyncadd.s32 $0xFFFFB000  }
0x40: {  	[tilespmem:s20], [sflag:$0x1] =	stream.indirect.gather [hbm4b:s4+s19], $0x40, s28, s19, $0xb8;
	[tilespmem:$0x13600] =	vst v63  }
0x41: {  	s28 =	smov.u32 s26;
	s26 =	sadd.s32 $0x1400, s26  }
0x42: {  	[tilespmem:s21], [sflag:$0x1] =	stream.indirect.gather [hbm4b:s4+s19], $0x40, s25, s19, $0xb8;
	[tilespmem:$0x13600] =	vst v63  }
0x43: {  	_ =	swait.ge [sflag:s18], $0x5000  }
0x44: {  	[sflag:s18] =	ssyncset.done $0x0  }
0x45: {  	s29 =	sadd.s32 s24, s12;
	[sflag:s18] =	ssyncadd.s32 $0xFFFFB000  }
0x46: {  	[hbm4b:s29+s2] =	stream.linear.scatter [tilespmem:s20], [sflag:$0x2], $0x5000, $0x38;
	[tilespmem:$0x13600] =	vst v63  }
0x47: {  	_ =	swait.ge [sflag:s18], $0x5000  }
0x48: {  	[sflag:s18] =	ssyncset.done $0x0  }
0x49: {  	s29 =	sadd.s32 s24, s11;
	s24 =	smov.u32 s28;
	[sflag:s18] =	ssyncadd.s32 $0xFFFFB000  }
0x4a: {  	[hbm4b:s29+s2] =	stream.linear.scatter [tilespmem:s21], [sflag:$0x2], $0x5000, $0x38;
	[tilespmem:$0x13600] =	vst v63  }
.Ltmp0:
0x4b: {  	_ =	swait.ge [sflag:s22], $0x5000;
	(pc) =	sbr.rel @p0 .LBB2_2-.Ltmp0, $4  }
0x4c: {  	[sflag:s22] =	ssyncset.done $0x0  }
0x4d: {  	[sflag:s22] =	ssyncadd.s32 $0xFFFFB000  }
0x4e: {  	_ =	swait.ge [sflag:s22], $0x5000  }
0x4f: {  	s25 =	sadd.s32 $0x280, s25;
	[sflag:s22] =	ssyncset.done $0x0  }
0x50: {  	s26 =	sadd.s32 $0xFFFFFEC0, s25;
	[sflag:s22] =	ssyncadd.s32 $0xFFFFB000  }
0x51: {  	[tilespmem:s20], [sflag:$0x1] =	stream.indirect.gather [hbm4b:s4+s19], $0x40, s26, s19, $0xb8;
	[tilespmem:$0x13600] =	vst v63  }
0x52: {  	_ = 	snop  }
0x53: {  	[tilespmem:s21], [sflag:$0x1] =	stream.indirect.gather [hbm4b:s4+s19], $0x40, s25, s19, $0xb8;
	[tilespmem:$0x13600] =	vst v63  }
0x54: {  	_ =	swait.ge [sflag:s18], $0x5000  }
0x55: {  	[sflag:s18] =	ssyncset.done $0x0  }
0x56: {  	s30 =	sadd.s32 s24, s12;
	[sflag:s18] =	ssyncadd.s32 $0xFFFFB000  }
0x57: {  	[hbm4b:s30+s2] =	stream.linear.scatter [tilespmem:s20], [sflag:$0x2], $0x5000, $0x38;
	[tilespmem:$0x13600] =	vst v63  }
0x58: {  	_ =	swait.ge [sflag:s18], $0x5000  }
0x59: {  	[sflag:s18] =	ssyncset.done $0x0  }
0x5a: {  	s31 =	sadd.s32 s24, s11;
	s23 =	sadd.s32 $0x1, s23;
	[sflag:s18] =	ssyncadd.s32 $0xFFFFB000  }
0x5b: {  	[hbm4b:s31+s2] =	stream.linear.scatter [tilespmem:s21], [sflag:$0x2], $0x5000, $0x38;
	[tilespmem:$0x13600] =	vst v63  }
0x5c: {  	p0 =	sne.s32 s23, s10;
	_ =	swait.ge [sflag:s22], $0x5000  }
.Ltmp1:
0x5d: {  	[sflag:s22] =	ssyncset.done $0x0;
	(pc) =	sbr.rel @p0 .LBB2_1-.Ltmp1, $4  }
0x5e: {  	[sflag:s22] =	ssyncadd.s32 $0xFFFFB000  }
0x5f: {  	_ =	swait.ge [sflag:s22], $0x5000  }
0x60: {  	[sflag:s22] =	ssyncset.done $0x0  }
0x61: {  	[sflag:s22] =	ssyncadd.s32 $0xFFFFB000  }
0x62: {  	_ =	sfence.sel $0x180000  }
0x63: {  	[bflag:$0x0] =	sbarrier.arrive $0xFFFF  }
0x64: {  	p0 =	sne.s32 s0, $0x0;
	_ =	strace $0x90000047  }
0x65: {  	s0 =	sadd.s32 @!p0 $0x100000, s1;
	[bflag:$0x2] =	sbarrier.arrive $0xFFFF  }
0x66: {  	[sflag:s0] =	ssyncadd.tile.s32 @!p0 $0x1;
	_ =	shalt  }
.Lfunc_end2:
_tile_overlayer_lowered:
.L_overlay_start_2:
0x67: {  	(tag) =	ssettag $0x2  }
0x68: {  	s0 =	rddreg [dreg:$0x0];
	s2 =	stileid.u32  }
0x69: {  	s1 =	rddreg [dreg:$0x1];
	p0 =	sne.s32 s2, $0x0  }
0x6a: {  	s3 =	rddreg [dreg:$0x2];
	[bflag:$0x3] =	sbarrier.arrive $0xFFFF;
	s2 =	simm.s32 @!p0 $0x1C03  }
0x6b: {  	[timem:s3], [sflag:s2] =	dma.local @!p0 [hbm:s0], s1  }
0x6c: {  	s0 =	simm.s32 @!p0 $0x3  }
0x6d: {  	_ =	swait.ge @!p0 [sflag:s0], s1  }
0x6e: {  	s1 =	ssub.s32 @!p0 $0x0, s1;
	[sflag:s0] =	ssyncset.done @!p0 $0x0  }
0x6f: {  	[sflag:s0] =	ssyncadd.s32 @!p0 s1  }
0x70: {  	[bflag:$0x3] =	sbarrier.arrive $0xFFFF  }
0x71: {  	_ =	shalt  }

</sc_bundles>
